<compile_context>
chip_gen: v7x
topology: tpu7x:2x2x1
jax: 0.10.2.dev20260603
libtpu: 0.0.44.dev20260713+nightly
codegen_flags: <defaults>
</compile_context>

<pallas_src>
import functools

import jax
import jax.numpy as jnp
from jax import lax
from jax.experimental import pallas as pl
from jax.experimental.pallas import tpu as pltpu
from jax.experimental.pallas import tpu_sc as plsc

BLK = 256
FBLK = 1024


def _router_body(x_ref, gw_ref, pos_ref, pval_ref, gids_ref, nblk_ref,
                 aux_ref, *, num_experts, nb_max):
    x = x_ref[...]
    s = x.shape[0]
    logits = lax.dot_general(x, gw_ref[...], (((1,), (1,)), ((), ())),
                             preferred_element_type=jnp.float32)
    iota_e = lax.broadcasted_iota(jnp.int32, (s, num_experts), 1)
    big = jnp.int32(num_experts + 1)
    m1 = jnp.max(logits, axis=1, keepdims=True)
    i1 = jnp.min(jnp.where(logits == m1, iota_e, big), axis=1, keepdims=True)
    masked = jnp.where(iota_e == i1, -jnp.inf, logits)
    m2 = jnp.max(masked, axis=1, keepdims=True)
    i2 = jnp.min(jnp.where(masked == m2, iota_e, big), axis=1, keepdims=True)
    p1 = jax.nn.sigmoid(m1 - m2)
    p2 = 1.0 - p1

    probs = jax.nn.softmax(logits, axis=1)
    colsum = jnp.sum(probs, axis=0)
    aux_ref[0, 0] = num_experts * jnp.sum(colsum * colsum) / (s * s)

    ind = (jnp.where(iota_e == i1, 1.0, 0.0)
           + jnp.where(iota_e == i2, 1.0, 0.0))
    ia = lax.broadcasted_iota(jnp.int32, (s, s), 0)
    ib = lax.broadcasted_iota(jnp.int32, (s, s), 1)
    ltri = jnp.where(ib < ia, 1.0, 0.0)
    rank = lax.dot_general(ltri, ind, (((1,), (0,)), ((), ())),
                           preferred_element_type=jnp.float32)
    cnt = jnp.sum(ind, axis=0, keepdims=True).astype(jnp.int32)
    blocks = (cnt + (BLK - 1)) // BLK
    ee = lax.broadcasted_iota(jnp.int32, (num_experts, num_experts), 0)
    ep = lax.broadcasted_iota(jnp.int32, (num_experts, num_experts), 1)
    excl = jnp.sum(jnp.where(ep < ee, blocks, 0), axis=1,
                   keepdims=True)
    off_rows = (excl.reshape(1, num_experts) * BLK).astype(jnp.float32)
    slot = off_rows + rank
    pos1 = jnp.sum(jnp.where(iota_e == i1, slot, 0.0), axis=1,
                   keepdims=True)
    pos2 = jnp.sum(jnp.where(iota_e == i2, slot, 0.0), axis=1,
                   keepdims=True)
    pos_ref[...] = jnp.concatenate(
        [pos1.reshape(1, s), pos2.reshape(1, s)], axis=0).astype(jnp.int32)
    pval_ref[...] = jnp.concatenate(
        [p1.reshape(1, s), p2.reshape(1, s)], axis=0)

    nblk_ref[0, 0] = jnp.sum(blocks)
    ends = (excl.reshape(num_experts, 1)
            + blocks.reshape(num_experts, 1))
    bb = lax.broadcasted_iota(jnp.int32, (num_experts, nb_max), 1)
    g = jnp.sum(jnp.where(bb >= ends, 1, 0), axis=0, keepdims=True)
    gids_ref[...] = jnp.minimum(g, num_experts - 1)


def _scatter_body(x_hbm, pos_hbm, xs_hbm, rows_v, idx0_v, idx1_v,
                  sem0, sem1, *, tok_per_w, num_cores):
    wid = lax.axis_index("s") * num_cores + lax.axis_index("c")
    base = wid * tok_per_w
    pltpu.sync_copy(pos_hbm.at[0, pl.ds(base, tok_per_w)], idx0_v)
    pltpu.sync_copy(pos_hbm.at[1, pl.ds(base, tok_per_w)], idx1_v)
    pltpu.sync_copy(x_hbm.at[pl.ds(base, tok_per_w)], rows_v)
    c0 = pltpu.async_copy(rows_v, xs_hbm.at[idx0_v], sem0)
    c1 = pltpu.async_copy(rows_v, xs_hbm.at[idx1_v], sem1)
    c0.wait()
    c1.wait()


def _gmm_body(gids_ref, nblk_ref, xs_ref, w1_ref, w3_ref, w2_ref, ys_ref,
              acc_ref, *, nf):
    f = pl.program_id(0)
    b = pl.program_id(1)
    bb = jnp.minimum(b, nblk_ref[0] - 1)

    @pl.when(b < nblk_ref[0])
    def _():
        blk = ys_ref.shape[0]
        xb = xs_ref[pl.ds(bb * blk, blk), :]
        a = lax.dot_general(xb, w1_ref[0], (((1,), (1,)), ((), ())),
                            preferred_element_type=jnp.float32)
        b3 = lax.dot_general(xb, w3_ref[0], (((1,), (1,)), ((), ())),
                             preferred_element_type=jnp.float32)
        h = (a * jax.nn.sigmoid(a)) * b3
        y = lax.dot_general(h, w2_ref[0], (((1,), (1,)), ((), ())),
                            preferred_element_type=jnp.float32)
        if nf == 1:
            ys_ref[...] = y
        else:
            @pl.when(f == 0)
            def _():
                acc_ref[pl.ds(bb * blk, blk), :] = y.astype(acc_ref.dtype)

            @pl.when((f != 0) & (f != nf - 1))
            def _():
                acc_ref[pl.ds(bb * blk, blk), :] = (
                    acc_ref[pl.ds(bb * blk, blk), :].astype(jnp.float32) + y
                ).astype(acc_ref.dtype)

            @pl.when(f == nf - 1)
            def _():
                ys_ref[...] = (
                    acc_ref[pl.ds(bb * blk, blk), :].astype(jnp.float32) + y)


def _gather_body(ys_hbm, pos_hbm, y0_hbm, y1_hbm, rows_v, idx_v, sem,
                 *, tok_per_w, num_cores):
    wid = lax.axis_index("s") * num_cores + lax.axis_index("c")
    base = wid * tok_per_w
    pltpu.sync_copy(pos_hbm.at[0, pl.ds(base, tok_per_w)], idx_v)
    pltpu.async_copy(ys_hbm.at[idx_v], rows_v, sem).wait()
    pltpu.sync_copy(rows_v, y0_hbm.at[pl.ds(base, tok_per_w)])
    pltpu.sync_copy(pos_hbm.at[1, pl.ds(base, tok_per_w)], idx_v)
    pltpu.async_copy(ys_hbm.at[idx_v], rows_v, sem).wait()
    pltpu.sync_copy(rows_v, y1_hbm.at[pl.ds(base, tok_per_w)])


def _combine_body(y0_ref, y1_ref, pval_ref, out_ref):
    s = out_ref.shape[0]
    p0 = pval_ref[0, :].reshape(s, 1)
    p1 = pval_ref[1, :].reshape(s, 1)
    out_ref[...] = y0_ref[...] * p0 + y1_ref[...] * p1


def kernel(x, gate_w, w1, w2, w3):
    batch, seq, hidden = x.shape
    num_experts, ff, _ = w1.shape
    s = batch * seq
    x_flat = x.reshape(s, hidden)

    fblk = min(FBLK, ff)
    nf = ff // fblk
    nb_max = s * 2 // BLK + num_experts
    npad = nb_max * BLK

    pos, pval, gids, nblk, aux = pl.pallas_call(
        functools.partial(_router_body, num_experts=num_experts,
                          nb_max=nb_max),
        in_specs=[
            pl.BlockSpec((s, hidden), lambda: (0, 0)),
            pl.BlockSpec((num_experts, hidden), lambda: (0, 0)),
        ],
        out_specs=[
            pl.BlockSpec((2, s), lambda: (0, 0)),
            pl.BlockSpec((2, s), lambda: (0, 0)),
            pl.BlockSpec((1, nb_max), lambda: (0, 0)),
            pl.BlockSpec((1, 1), lambda: (0, 0), memory_space=pltpu.SMEM),
            pl.BlockSpec((1, 1), lambda: (0, 0), memory_space=pltpu.SMEM),
        ],
        out_shape=[
            jax.ShapeDtypeStruct((2, s), jnp.int32),
            jax.ShapeDtypeStruct((2, s), jnp.float32),
            jax.ShapeDtypeStruct((1, nb_max), jnp.int32),
            jax.ShapeDtypeStruct((1, 1), jnp.int32),
            jax.ShapeDtypeStruct((1, 1), jnp.float32),
        ],
    )(x_flat, gate_w)

    info = plsc.get_sparse_core_info()
    nw = info.num_cores * info.num_subcores
    tok_per_w = s // nw
    mesh = plsc.VectorSubcoreMesh(core_axis_name="c", subcore_axis_name="s")
    xs = pl.kernel(
        functools.partial(_scatter_body, tok_per_w=tok_per_w,
                          num_cores=info.num_cores),
        out_type=jax.ShapeDtypeStruct((npad, hidden), jnp.float32),
        mesh=mesh,
        scratch_types=[
            pltpu.VMEM((tok_per_w, hidden), jnp.float32),
            pltpu.VMEM((tok_per_w,), jnp.int32),
            pltpu.VMEM((tok_per_w,), jnp.int32),
            pltpu.SemaphoreType.DMA,
            pltpu.SemaphoreType.DMA,
        ],
    )(x_flat, pos)

    def _w13i(f, b, gids_ref, nblk_ref):
        return (gids_ref[jnp.minimum(b, nblk_ref[0] - 1)], f, 0)

    def _w2i(f, b, gids_ref, nblk_ref):
        return (gids_ref[jnp.minimum(b, nblk_ref[0] - 1)], 0, f)

    def _oi(f, b, gids_ref, nblk_ref):
        return (jnp.where(f == nf - 1,
                          jnp.minimum(b, nblk_ref[0] - 1), 0), 0)

    ys = pl.pallas_call(
        functools.partial(_gmm_body, nf=nf),
        grid_spec=pltpu.PrefetchScalarGridSpec(
            num_scalar_prefetch=2,
            grid=(nf, nb_max),
            in_specs=[
                pl.BlockSpec((npad, hidden), lambda f, b, g, n: (0, 0),
                             pipeline_mode=pl.Buffered(buffer_count=1)),
                pl.BlockSpec((1, fblk, hidden), _w13i),
                pl.BlockSpec((1, fblk, hidden), _w13i),
                pl.BlockSpec((1, hidden, fblk), _w2i),
            ],
            out_specs=pl.BlockSpec((BLK, hidden), _oi),
            scratch_shapes=[pltpu.VMEM((npad, hidden), jnp.bfloat16)],
        ),
        out_shape=jax.ShapeDtypeStruct((npad, hidden), jnp.float32),
        compiler_params=pltpu.CompilerParams(
            dimension_semantics=("arbitrary", "arbitrary"),
            vmem_limit_bytes=110 * 1024 * 1024),
    )(gids.reshape(nb_max), nblk.reshape(1), xs, w1, w3, w2)

    y0, y1 = pl.kernel(
        functools.partial(_gather_body, tok_per_w=tok_per_w,
                          num_cores=info.num_cores),
        out_type=[
            jax.ShapeDtypeStruct((s, hidden), jnp.float32),
            jax.ShapeDtypeStruct((s, hidden), jnp.float32),
        ],
        mesh=mesh,
        scratch_types=[
            pltpu.VMEM((tok_per_w, hidden), jnp.float32),
            pltpu.VMEM((tok_per_w,), jnp.int32),
            pltpu.SemaphoreType.DMA,
        ],
    )(ys, pos)

    out = pl.pallas_call(
        _combine_body,
        in_specs=[
            pl.BlockSpec((s, hidden), lambda: (0, 0)),
            pl.BlockSpec((s, hidden), lambda: (0, 0)),
            pl.BlockSpec((2, s), lambda: (0, 0)),
        ],
        out_specs=pl.BlockSpec((s, hidden), lambda: (0, 0)),
        out_shape=jax.ShapeDtypeStruct((s, hidden), jnp.float32),
    )(y0, y1, pval)

    return out.reshape(batch, seq, hidden), aux.reshape(())

# --- scband reference (transcript-rebuilt; emitter-appended) ---
"""Pipeline reference for scband-sparse-mo-e-68728066670792 (READ-ONLY COPY).

The authoritative reference and input builder live on the scoring server;
editing this copy changes nothing except your own understanding.
"""

import jax, jax.numpy as jnp
import numpy as np

HIDDEN = 1024
NUM_EXPERTS = 8
TOP_K = 2
EXPANSION = 4
FF = HIDDEN * EXPANSION
BATCH, SEQ = 1, 2048


def setup_inputs(seed: int = 0) -> dict:
    key = jax.random.key(seed)
    ks = jax.random.split(key, 5)
    x = jax.random.normal(ks[0], (BATCH, SEQ, HIDDEN), dtype=jnp.float32)
    gate_w = jax.random.normal(ks[1], (NUM_EXPERTS, HIDDEN), dtype=jnp.float32) * 0.02
    w1 = jax.random.normal(ks[2], (NUM_EXPERTS, FF, HIDDEN), dtype=jnp.float32) * 0.02
    w2 = jax.random.normal(ks[3], (NUM_EXPERTS, HIDDEN, FF), dtype=jnp.float32) * 0.02
    w3 = jax.random.normal(ks[4], (NUM_EXPERTS, FF, HIDDEN), dtype=jnp.float32) * 0.02
    return {"x": x, "gate_w": gate_w, "w1": w1, "w2": w2, "w3": w3}


def reference(x, gate_w, w1, w2, w3):
    B, S, H = x.shape
    x_flat = x.reshape(-1, H)
    # Router: gate linear (no bias), top-k, softmax over top-k logits
    router_logits = x_flat @ gate_w.T
    expert_weights_raw, expert_indices = jax.lax.top_k(router_logits, TOP_K)
    expert_weights = jax.nn.softmax(expert_weights_raw, axis=-1)
    # Load balancing aux loss
    routing_probs = jax.nn.softmax(router_logits, axis=-1)
    expert_usage = routing_probs.mean(axis=0)
    expert_importance = routing_probs.sum(axis=0)
    expert_importance = expert_importance / expert_importance.sum()
    aux_loss = NUM_EXPERTS * (expert_usage * expert_importance).sum()
    # Expert computation: per-expert dense compute, masked-combine
    # (mathematically identical to the torch masked-gather loop: tokens not
    # routed to expert e receive combine weight 0)
    output = jnp.zeros_like(x_flat)
    for e in range(NUM_EXPERTS):
        combine = jnp.zeros((x_flat.shape[0],), dtype=x_flat.dtype)
        for k in range(TOP_K):
            combine = combine + jnp.where(expert_indices[:, k] == e, expert_weights[:, k], 0.0)
        h = jax.nn.silu(x_flat @ w1[e].T) * (x_flat @ w3[e].T)
        expert_out = h @ w2[e].T
        output = output + expert_out * combine[:, None]
    return output.reshape(B, S, H), aux_loss

if __name__ == "__main__":
    import jax
    _d = setup_inputs()
    print(jax.jit(kernel)(*tuple(_d.values())))

</pallas_src>

<mosaic_0001>
#map = affine_map<(d0, d1) -> (0, 0)>
module attributes {stable_mosaic.version = 14 : i64} {
  func.func @_scatter_body(%arg0: i32, %arg1: i32, %arg2: memref<2048x1024xf32, #tpu.memory_space<hbm>>, %arg3: memref<2x2048xi32, #tpu.memory_space<hbm>>, %arg4: memref<6144x1024xf32, #tpu.memory_space<hbm>>, %arg5: memref<64x1024xf32, #tpu.memory_space<vmem>>, %arg6: memref<64xi32, #tpu.memory_space<vmem>>, %arg7: memref<64xi32, #tpu.memory_space<vmem>>, %arg8: memref<!tpu.dma_semaphore, #tpu.memory_space<semaphore_mem>>, %arg9: memref<!tpu.dma_semaphore, #tpu.memory_space<semaphore_mem>>) attributes {dimension_semantics = [#tpu.dimension_semantics<core_parallel>, #tpu.dimension_semantics<subcore_parallel>], iteration_bounds = array<i64: 2, 16>, scalar_prefetch = 0 : i64, scratch_operands = 5 : i64, tpu.core_type = #tpu.core_type<sc_vector_subcore>, window_params = [{transform_indices = #map}, {transform_indices = #map}, {transform_indices = #map}]} {
    %mul3A = arith.constant 2 : i32
    %mul3A_0 = arith.muli %arg1, %mul3A : i32
    %add3A = arith.addi %mul3A_0, %arg0 : i32
    %mul3A_1 = arith.constant 64 : i32
    %mul3A_2 = arith.muli %add3A, %mul3A_1 : i32
    %run_scoped3A = arith.constant 0 : i32
    "tpu.region"() ({
      %run_scoped3A_14 = tpu.sem_alloc : memref<!tpu.dma_semaphore, #tpu.memory_space<semaphore_mem>>
      %dma_start3A_15 = tpu.memref_slice %arg3[%run_scoped3A, %mul3A_2] : memref<2x2048xi32, #tpu.memory_space<hbm>> -> memref<1x64xi32, #tpu.memory_space<hbm>>
      %dma_start3A_16 = tpu.memref_squeeze %dma_start3A_15 : memref<1x64xi32, #tpu.memory_space<hbm>> -> memref<64xi32, #tpu.memory_space<hbm>>
      %dma_start3A_17 = tpu.memref_slice %arg3[%run_scoped3A, %mul3A_2] : memref<2x2048xi32, #tpu.memory_space<hbm>> -> memref<1x64xi32, #tpu.memory_space<hbm>>
      %dma_start3A_18 = tpu.memref_squeeze %dma_start3A_17 : memref<1x64xi32, #tpu.memory_space<hbm>> -> memref<64xi32, #tpu.memory_space<hbm>>
      tpu.enqueue_dma source(%dma_start3A_18 : memref<64xi32, #tpu.memory_space<hbm>>) target(%arg6 : memref<64xi32, #tpu.memory_space<vmem>>) target_semaphore(%run_scoped3A_14 : memref<!tpu.dma_semaphore, #tpu.memory_space<semaphore_mem>>)
      %dma_wait3A_19 = tpu.memref_slice %arg3[%run_scoped3A, %mul3A_2] : memref<2x2048xi32, #tpu.memory_space<hbm>> -> memref<1x64xi32, #tpu.memory_space<hbm>>
      %dma_wait3A_20 = tpu.memref_squeeze %dma_wait3A_19 : memref<1x64xi32, #tpu.memory_space<hbm>> -> memref<64xi32, #tpu.memory_space<hbm>>
      %dma_wait3A_21 = tpu.memref_slice %arg3[%run_scoped3A, %mul3A_2] : memref<2x2048xi32, #tpu.memory_space<hbm>> -> memref<1x64xi32, #tpu.memory_space<hbm>>
      %dma_wait3A_22 = tpu.memref_squeeze %dma_wait3A_21 : memref<1x64xi32, #tpu.memory_space<hbm>> -> memref<64xi32, #tpu.memory_space<hbm>>
      tpu.wait_dma2 semaphore(%run_scoped3A_14 : memref<!tpu.dma_semaphore, #tpu.memory_space<semaphore_mem>>) src(%dma_wait3A_22 : memref<64xi32, #tpu.memory_space<hbm>>) dst(%arg6 : memref<64xi32, #tpu.memory_space<vmem>>)
      tpu.yield
    }) : () -> ()
    %run_scoped3A_3 = arith.constant 1 : i32
    "tpu.region"() ({
      %run_scoped3A_14 = tpu.sem_alloc : memref<!tpu.dma_semaphore, #tpu.memory_space<semaphore_mem>>
      %dma_start3A_15 = tpu.memref_slice %arg3[%run_scoped3A_3, %mul3A_2] : memref<2x2048xi32, #tpu.memory_space<hbm>> -> memref<1x64xi32, #tpu.memory_space<hbm>>
      %dma_start3A_16 = tpu.memref_squeeze %dma_start3A_15 : memref<1x64xi32, #tpu.memory_space<hbm>> -> memref<64xi32, #tpu.memory_space<hbm>>
      %dma_start3A_17 = tpu.memref_slice %arg3[%run_scoped3A_3, %mul3A_2] : memref<2x2048xi32, #tpu.memory_space<hbm>> -> memref<1x64xi32, #tpu.memory_space<hbm>>
      %dma_start3A_18 = tpu.memref_squeeze %dma_start3A_17 : memref<1x64xi32, #tpu.memory_space<hbm>> -> memref<64xi32, #tpu.memory_space<hbm>>
      tpu.enqueue_dma source(%dma_start3A_18 : memref<64xi32, #tpu.memory_space<hbm>>) target(%arg7 : memref<64xi32, #tpu.memory_space<vmem>>) target_semaphore(%run_scoped3A_14 : memref<!tpu.dma_semaphore, #tpu.memory_space<semaphore_mem>>)
      %dma_wait3A_19 = tpu.memref_slice %arg3[%run_scoped3A_3, %mul3A_2] : memref<2x2048xi32, #tpu.memory_space<hbm>> -> memref<1x64xi32, #tpu.memory_space<hbm>>
      %dma_wait3A_20 = tpu.memref_squeeze %dma_wait3A_19 : memref<1x64xi32, #tpu.memory_space<hbm>> -> memref<64xi32, #tpu.memory_space<hbm>>
      %dma_wait3A_21 = tpu.memref_slice %arg3[%run_scoped3A_3, %mul3A_2] : memref<2x2048xi32, #tpu.memory_space<hbm>> -> memref<1x64xi32, #tpu.memory_space<hbm>>
      %dma_wait3A_22 = tpu.memref_squeeze %dma_wait3A_21 : memref<1x64xi32, #tpu.memory_space<hbm>> -> memref<64xi32, #tpu.memory_space<hbm>>
      tpu.wait_dma2 semaphore(%run_scoped3A_14 : memref<!tpu.dma_semaphore, #tpu.memory_space<semaphore_mem>>) src(%dma_wait3A_22 : memref<64xi32, #tpu.memory_space<hbm>>) dst(%arg7 : memref<64xi32, #tpu.memory_space<vmem>>)
      tpu.yield
    }) : () -> ()
    "tpu.region"() ({
      %run_scoped3A_14 = tpu.sem_alloc : memref<!tpu.dma_semaphore, #tpu.memory_space<semaphore_mem>>
      %dma_start3A_15 = arith.constant 0 : i32
      %dma_start3A_16 = tpu.memref_slice %arg2[%mul3A_2, %dma_start3A_15] : memref<2048x1024xf32, #tpu.memory_space<hbm>> -> memref<64x1024xf32, #tpu.memory_space<hbm>>
      %dma_start3A_17 = arith.constant 0 : i32
      %dma_start3A_18 = tpu.memref_slice %arg2[%mul3A_2, %dma_start3A_17] : memref<2048x1024xf32, #tpu.memory_space<hbm>> -> memref<64x1024xf32, #tpu.memory_space<hbm>>
      tpu.enqueue_dma source(%dma_start3A_18 : memref<64x1024xf32, #tpu.memory_space<hbm>>) target(%arg5 : memref<64x1024xf32, #tpu.memory_space<vmem>>) target_semaphore(%run_scoped3A_14 : memref<!tpu.dma_semaphore, #tpu.memory_space<semaphore_mem>>)
      %dma_wait3A_19 = arith.constant 0 : i32
      %dma_wait3A_20 = tpu.memref_slice %arg2[%mul3A_2, %dma_wait3A_19] : memref<2048x1024xf32, #tpu.memory_space<hbm>> -> memref<64x1024xf32, #tpu.memory_space<hbm>>
      %dma_wait3A_21 = arith.constant 0 : i32
      %dma_wait3A_22 = tpu.memref_slice %arg2[%mul3A_2, %dma_wait3A_21] : memref<2048x1024xf32, #tpu.memory_space<hbm>> -> memref<64x1024xf32, #tpu.memory_space<hbm>>
      tpu.wait_dma2 semaphore(%run_scoped3A_14 : memref<!tpu.dma_semaphore, #tpu.memory_space<semaphore_mem>>) src(%dma_wait3A_22 : memref<64x1024xf32, #tpu.memory_space<hbm>>) dst(%arg5 : memref<64x1024xf32, #tpu.memory_space<vmem>>)
      tpu.yield
    }) : () -> ()
    %dma_start3A = arith.constant 0 : i32
    %dma_start3A_4 = arith.constant 0 : i32
    %dma_start3A_5 = tpu.memref_slice %arg4[%dma_start3A, %dma_start3A_4] : memref<6144x1024xf32, #tpu.memory_space<hbm>> -> memref<6144x1024xf32, #tpu.memory_space<hbm>>
    tpu.enqueue_indirect_dma source(%arg5 : memref<64x1024xf32, #tpu.memory_space<vmem>>) target(%dma_start3A_5 : memref<6144x1024xf32, #tpu.memory_space<hbm>>) offsets(%arg6 : memref<64xi32, #tpu.memory_space<vmem>>) semaphore(%arg8 : memref<!tpu.dma_semaphore, #tpu.memory_space<semaphore_mem>>)
    %dma_start3A_6 = arith.constant 0 : i32
    %dma_start3A_7 = arith.constant 0 : i32
    %dma_start3A_8 = tpu.memref_slice %arg4[%dma_start3A_6, %dma_start3A_7] : memref<6144x1024xf32, #tpu.memory_space<hbm>> -> memref<6144x1024xf32, #tpu.memory_space<hbm>>
    tpu.enqueue_indirect_dma source(%arg5 : memref<64x1024xf32, #tpu.memory_space<vmem>>) target(%dma_start3A_8 : memref<6144x1024xf32, #tpu.memory_space<hbm>>) offsets(%arg7 : memref<64xi32, #tpu.memory_space<vmem>>) semaphore(%arg9 : memref<!tpu.dma_semaphore, #tpu.memory_space<semaphore_mem>>)
    %dma_wait3A = arith.constant 0 : i32
    %dma_wait3A_9 = arith.constant 0 : i32
    %dma_wait3A_10 = tpu.memref_slice %arg4[%dma_wait3A, %dma_wait3A_9] : memref<6144x1024xf32, #tpu.memory_space<hbm>> -> memref<6144x1024xf32, #tpu.memory_space<hbm>>
    tpu.wait_indirect_dma semaphore(%arg8 : memref<!tpu.dma_semaphore, #tpu.memory_space<semaphore_mem>>) src(%arg5 : memref<64x1024xf32, #tpu.memory_space<vmem>>) dst(%dma_wait3A_10 : memref<6144x1024xf32, #tpu.memory_space<hbm>>)
    %dma_wait3A_11 = arith.constant 0 : i32
    %dma_wait3A_12 = arith.constant 0 : i32
    %dma_wait3A_13 = tpu.memref_slice %arg4[%dma_wait3A_11, %dma_wait3A_12] : memref<6144x1024xf32, #tpu.memory_space<hbm>> -> memref<6144x1024xf32, #tpu.memory_space<hbm>>
    tpu.wait_indirect_dma semaphore(%arg9 : memref<!tpu.dma_semaphore, #tpu.memory_space<semaphore_mem>>) src(%arg5 : memref<64x1024xf32, #tpu.memory_space<vmem>>) dst(%dma_wait3A_13 : memref<6144x1024xf32, #tpu.memory_space<hbm>>)
    return
  }
}

#map = affine_map<(d0, d1) -> (0, 0)>
module attributes {stable_mosaic.version = 14 : i64} {
  func.func @_gather_body(%arg0: i32, %arg1: i32, %arg2: memref<6144x1024xf32, #tpu.memory_space<hbm>>, %arg3: memref<2x2048xi32, #tpu.memory_space<hbm>>, %arg4: memref<2048x1024xf32, #tpu.memory_space<hbm>>, %arg5: memref<2048x1024xf32, #tpu.memory_space<hbm>>, %arg6: memref<64x1024xf32, #tpu.memory_space<vmem>>, %arg7: memref<64xi32, #tpu.memory_space<vmem>>, %arg8: memref<!tpu.dma_semaphore, #tpu.memory_space<semaphore_mem>>) attributes {dimension_semantics = [#tpu.dimension_semantics<core_parallel>, #tpu.dimension_semantics<subcore_parallel>], iteration_bounds = array<i64: 2, 16>, scalar_prefetch = 0 : i64, scratch_operands = 3 : i64, tpu.core_type = #tpu.core_type<sc_vector_subcore>, window_params = [{transform_indices = #map}, {transform_indices = #map}, {transform_indices = #map}, {transform_indices = #map}]} {
    %mul3A = arith.constant 2 : i32
    %mul3A_0 = arith.muli %arg1, %mul3A : i32
    %add3A = arith.addi %mul3A_0, %arg0 : i32
    %mul3A_1 = arith.constant 64 : i32
    %mul3A_2 = arith.muli %add3A, %mul3A_1 : i32
    %run_scoped3A = arith.constant 0 : i32
    "tpu.region"() ({
      %run_scoped3A_14 = tpu.sem_alloc : memref<!tpu.dma_semaphore, #tpu.memory_space<semaphore_mem>>
      %dma_start3A_15 = tpu.memref_slice %arg3[%run_scoped3A, %mul3A_2] : memref<2x2048xi32, #tpu.memory_space<hbm>> -> memref<1x64xi32, #tpu.memory_space<hbm>>
      %dma_start3A_16 = tpu.memref_squeeze %dma_start3A_15 : memref<1x64xi32, #tpu.memory_space<hbm>> -> memref<64xi32, #tpu.memory_space<hbm>>
      %dma_start3A_17 = tpu.memref_slice %arg3[%run_scoped3A, %mul3A_2] : memref<2x2048xi32, #tpu.memory_space<hbm>> -> memref<1x64xi32, #tpu.memory_space<hbm>>
      %dma_start3A_18 = tpu.memref_squeeze %dma_start3A_17 : memref<1x64xi32, #tpu.memory_space<hbm>> -> memref<64xi32, #tpu.memory_space<hbm>>
      tpu.enqueue_dma source(%dma_start3A_18 : memref<64xi32, #tpu.memory_space<hbm>>) target(%arg7 : memref<64xi32, #tpu.memory_space<vmem>>) target_semaphore(%run_scoped3A_14 : memref<!tpu.dma_semaphore, #tpu.memory_space<semaphore_mem>>)
      %dma_wait3A_19 = tpu.memref_slice %arg3[%run_scoped3A, %mul3A_2] : memref<2x2048xi32, #tpu.memory_space<hbm>> -> memref<1x64xi32, #tpu.memory_space<hbm>>
      %dma_wait3A_20 = tpu.memref_squeeze %dma_wait3A_19 : memref<1x64xi32, #tpu.memory_space<hbm>> -> memref<64xi32, #tpu.memory_space<hbm>>
      %dma_wait3A_21 = tpu.memref_slice %arg3[%run_scoped3A, %mul3A_2] : memref<2x2048xi32, #tpu.memory_space<hbm>> -> memref<1x64xi32, #tpu.memory_space<hbm>>
      %dma_wait3A_22 = tpu.memref_squeeze %dma_wait3A_21 : memref<1x64xi32, #tpu.memory_space<hbm>> -> memref<64xi32, #tpu.memory_space<hbm>>
      tpu.wait_dma2 semaphore(%run_scoped3A_14 : memref<!tpu.dma_semaphore, #tpu.memory_space<semaphore_mem>>) src(%dma_wait3A_22 : memref<64xi32, #tpu.memory_space<hbm>>) dst(%arg7 : memref<64xi32, #tpu.memory_space<vmem>>)
      tpu.yield
    }) : () -> ()
    %dma_start3A = arith.constant 0 : i32
    %dma_start3A_3 = arith.constant 0 : i32
    %dma_start3A_4 = tpu.memref_slice %arg2[%dma_start3A, %dma_start3A_3] : memref<6144x1024xf32, #tpu.memory_space<hbm>> -> memref<6144x1024xf32, #tpu.memory_space<hbm>>
    tpu.enqueue_indirect_dma source(%dma_start3A_4 : memref<6144x1024xf32, #tpu.memory_space<hbm>>) target(%arg6 : memref<64x1024xf32, #tpu.memory_space<vmem>>) offsets(%arg7 : memref<64xi32, #tpu.memory_space<vmem>>) semaphore(%arg8 : memref<!tpu.dma_semaphore, #tpu.memory_space<semaphore_mem>>)
    %dma_wait3A = arith.constant 0 : i32
    %dma_wait3A_5 = arith.constant 0 : i32
    %dma_wait3A_6 = tpu.memref_slice %arg2[%dma_wait3A, %dma_wait3A_5] : memref<6144x1024xf32, #tpu.memory_space<hbm>> -> memref<6144x1024xf32, #tpu.memory_space<hbm>>
    tpu.wait_indirect_dma semaphore(%arg8 : memref<!tpu.dma_semaphore, #tpu.memory_space<semaphore_mem>>) src(%dma_wait3A_6 : memref<6144x1024xf32, #tpu.memory_space<hbm>>) dst(%arg6 : memref<64x1024xf32, #tpu.memory_space<vmem>>)
    "tpu.region"() ({
      %run_scoped3A_14 = tpu.sem_alloc : memref<!tpu.dma_semaphore, #tpu.memory_space<semaphore_mem>>
      %dma_start3A_15 = arith.constant 0 : i32
      %dma_start3A_16 = tpu.memref_slice %arg4[%mul3A_2, %dma_start3A_15] : memref<2048x1024xf32, #tpu.memory_space<hbm>> -> memref<64x1024xf32, #tpu.memory_space<hbm>>
      %dma_start3A_17 = arith.constant 0 : i32
      %dma_start3A_18 = tpu.memref_slice %arg4[%mul3A_2, %dma_start3A_17] : memref<2048x1024xf32, #tpu.memory_space<hbm>> -> memref<64x1024xf32, #tpu.memory_space<hbm>>
      tpu.enqueue_dma source(%arg6 : memref<64x1024xf32, #tpu.memory_space<vmem>>) target(%dma_start3A_18 : memref<64x1024xf32, #tpu.memory_space<hbm>>) target_semaphore(%run_scoped3A_14 : memref<!tpu.dma_semaphore, #tpu.memory_space<semaphore_mem>>)
      %dma_wait3A_19 = arith.constant 0 : i32
      %dma_wait3A_20 = tpu.memref_slice %arg4[%mul3A_2, %dma_wait3A_19] : memref<2048x1024xf32, #tpu.memory_space<hbm>> -> memref<64x1024xf32, #tpu.memory_space<hbm>>
      %dma_wait3A_21 = arith.constant 0 : i32
      %dma_wait3A_22 = tpu.memref_slice %arg4[%mul3A_2, %dma_wait3A_21] : memref<2048x1024xf32, #tpu.memory_space<hbm>> -> memref<64x1024xf32, #tpu.memory_space<hbm>>
      tpu.wait_dma2 semaphore(%run_scoped3A_14 : memref<!tpu.dma_semaphore, #tpu.memory_space<semaphore_mem>>) src(%arg6 : memref<64x1024xf32, #tpu.memory_space<vmem>>) dst(%dma_wait3A_22 : memref<64x1024xf32, #tpu.memory_space<hbm>>)
      tpu.yield
    }) : () -> ()
    %run_scoped3A_7 = arith.constant 1 : i32
    "tpu.region"() ({
      %run_scoped3A_14 = tpu.sem_alloc : memref<!tpu.dma_semaphore, #tpu.memory_space<semaphore_mem>>
      %dma_start3A_15 = tpu.memref_slice %arg3[%run_scoped3A_7, %mul3A_2] : memref<2x2048xi32, #tpu.memory_space<hbm>> -> memref<1x64xi32, #tpu.memory_space<hbm>>
      %dma_start3A_16 = tpu.memref_squeeze %dma_start3A_15 : memref<1x64xi32, #tpu.memory_space<hbm>> -> memref<64xi32, #tpu.memory_space<hbm>>
      %dma_start3A_17 = tpu.memref_slice %arg3[%run_scoped3A_7, %mul3A_2] : memref<2x2048xi32, #tpu.memory_space<hbm>> -> memref<1x64xi32, #tpu.memory_space<hbm>>
      %dma_start3A_18 = tpu.memref_squeeze %dma_start3A_17 : memref<1x64xi32, #tpu.memory_space<hbm>> -> memref<64xi32, #tpu.memory_space<hbm>>
      tpu.enqueue_dma source(%dma_start3A_18 : memref<64xi32, #tpu.memory_space<hbm>>) target(%arg7 : memref<64xi32, #tpu.memory_space<vmem>>) target_semaphore(%run_scoped3A_14 : memref<!tpu.dma_semaphore, #tpu.memory_space<semaphore_mem>>)
      %dma_wait3A_19 = tpu.memref_slice %arg3[%run_scoped3A_7, %mul3A_2] : memref<2x2048xi32, #tpu.memory_space<hbm>> -> memref<1x64xi32, #tpu.memory_space<hbm>>
      %dma_wait3A_20 = tpu.memref_squeeze %dma_wait3A_19 : memref<1x64xi32, #tpu.memory_space<hbm>> -> memref<64xi32, #tpu.memory_space<hbm>>
      %dma_wait3A_21 = tpu.memref_slice %arg3[%run_scoped3A_7, %mul3A_2] : memref<2x2048xi32, #tpu.memory_space<hbm>> -> memref<1x64xi32, #tpu.memory_space<hbm>>
      %dma_wait3A_22 = tpu.memref_squeeze %dma_wait3A_21 : memref<1x64xi32, #tpu.memory_space<hbm>> -> memref<64xi32, #tpu.memory_space<hbm>>
      tpu.wait_dma2 semaphore(%run_scoped3A_14 : memref<!tpu.dma_semaphore, #tpu.memory_space<semaphore_mem>>) src(%dma_wait3A_22 : memref<64xi32, #tpu.memory_space<hbm>>) dst(%arg7 : memref<64xi32, #tpu.memory_space<vmem>>)
      tpu.yield
    }) : () -> ()
    %dma_start3A_8 = arith.constant 0 : i32
    %dma_start3A_9 = arith.constant 0 : i32
    %dma_start3A_10 = tpu.memref_slice %arg2[%dma_start3A_8, %dma_start3A_9] : memref<6144x1024xf32, #tpu.memory_space<hbm>> -> memref<6144x1024xf32, #tpu.memory_space<hbm>>
    tpu.enqueue_indirect_dma source(%dma_start3A_10 : memref<6144x1024xf32, #tpu.memory_space<hbm>>) target(%arg6 : memref<64x1024xf32, #tpu.memory_space<vmem>>) offsets(%arg7 : memref<64xi32, #tpu.memory_space<vmem>>) semaphore(%arg8 : memref<!tpu.dma_semaphore, #tpu.memory_space<semaphore_mem>>)
    %dma_wait3A_11 = arith.constant 0 : i32
    %dma_wait3A_12 = arith.constant 0 : i32
    %dma_wait3A_13 = tpu.memref_slice %arg2[%dma_wait3A_11, %dma_wait3A_12] : memref<6144x1024xf32, #tpu.memory_space<hbm>> -> memref<6144x1024xf32, #tpu.memory_space<hbm>>
    tpu.wait_indirect_dma semaphore(%arg8 : memref<!tpu.dma_semaphore, #tpu.memory_space<semaphore_mem>>) src(%dma_wait3A_13 : memref<6144x1024xf32, #tpu.memory_space<hbm>>) dst(%arg6 : memref<64x1024xf32, #tpu.memory_space<vmem>>)
    "tpu.region"() ({
      %run_scoped3A_14 = tpu.sem_alloc : memref<!tpu.dma_semaphore, #tpu.memory_space<semaphore_mem>>
      %dma_start3A_15 = arith.constant 0 : i32
      %dma_start3A_16 = tpu.memref_slice %arg5[%mul3A_2, %dma_start3A_15] : memref<2048x1024xf32, #tpu.memory_space<hbm>> -> memref<64x1024xf32, #tpu.memory_space<hbm>>
      %dma_start3A_17 = arith.constant 0 : i32
      %dma_start3A_18 = tpu.memref_slice %arg5[%mul3A_2, %dma_start3A_17] : memref<2048x1024xf32, #tpu.memory_space<hbm>> -> memref<64x1024xf32, #tpu.memory_space<hbm>>
      tpu.enqueue_dma source(%arg6 : memref<64x1024xf32, #tpu.memory_space<vmem>>) target(%dma_start3A_18 : memref<64x1024xf32, #tpu.memory_space<hbm>>) target_semaphore(%run_scoped3A_14 : memref<!tpu.dma_semaphore, #tpu.memory_space<semaphore_mem>>)
      %dma_wait3A_19 = arith.constant 0 : i32
      %dma_wait3A_20 = tpu.memref_slice %arg5[%mul3A_2, %dma_wait3A_19] : memref<2048x1024xf32, #tpu.memory_space<hbm>> -> memref<64x1024xf32, #tpu.memory_space<hbm>>
      %dma_wait3A_21 = arith.constant 0 : i32
      %dma_wait3A_22 = tpu.memref_slice %arg5[%mul3A_2, %dma_wait3A_21] : memref<2048x1024xf32, #tpu.memory_space<hbm>> -> memref<64x1024xf32, #tpu.memory_space<hbm>>
      tpu.wait_dma2 semaphore(%run_scoped3A_14 : memref<!tpu.dma_semaphore, #tpu.memory_space<semaphore_mem>>) src(%arg6 : memref<64x1024xf32, #tpu.memory_space<vmem>>) dst(%dma_wait3A_22 : memref<64x1024xf32, #tpu.memory_space<hbm>>)
      tpu.yield
    }) : () -> ()
    return
  }
}

module attributes {stable_mosaic.version = 14 : i64} {
  func.func @_router_body(%arg0: memref<2048x1024xf32, #tpu.memory_space<vmem>>, %arg1: memref<8x1024xf32, #tpu.memory_space<vmem>>, %arg2: memref<2x2048xi32, #tpu.memory_space<vmem>>, %arg3: memref<2x2048xf32, #tpu.memory_space<vmem>>, %arg4: memref<1x24xi32, #tpu.memory_space<vmem>>, %arg5: memref<1x1xi32, #tpu.memory_space<smem>>, %arg6: memref<1x1xf32, #tpu.memory_space<smem>>) attributes {dimension_semantics = [], scalar_prefetch = 0 : i64, scratch_operands = 0 : i64, tpu.core_type = #tpu.core_type<tc>} {
    %get3A = arith.constant 0 : index
    %get3A_0 = arith.constant 0 : index
    %get3A_1 = vector.load %arg0[%get3A, %get3A_0] : memref<2048x1024xf32, #tpu.memory_space<vmem>>, vector<2048x1024xf32>
    %get3A_2 = arith.constant 0 : index
    %get3A_3 = arith.constant 0 : index
    %get3A_4 = vector.load %arg1[%get3A_2, %get3A_3] : memref<8x1024xf32, #tpu.memory_space<vmem>>, vector<8x1024xf32>
    %dot_general3A = arith.constant dense<0.000000e+00> : vector<2048x8xf32>
    %dot_general3A_5 = tpu.matmul %get3A_1, %get3A_4, %dot_general3A {dimension_numbers = #tpu.dot_dimension_numbers<[1], [1], [0], [0], [0, 0, 1, 0], [], []>, transpose_lhs_hint = false} : vector<2048x1024xf32>, vector<8x1024xf32>, vector<2048x8xf32> -> vector<2048x8xf32>
    %iota3A = tpu.iota {dimensions = array<i32: 1>} : vector<2048x8xi32>
    %reduce_max3A = arith.constant dense<0xFF800000> : vector<2048xf32>
    %reduce_max3A_6 = vector.multi_reduction <maximumf>, %dot_general3A_5, %reduce_max3A [1] : vector<2048x8xf32> to vector<2048xf32>
    %broadcast_in_dim3A = vector.shape_cast %reduce_max3A_6 : vector<2048xf32> to vector<2048x1xf32>
    %eq3A = vector.broadcast %broadcast_in_dim3A : vector<2048x1xf32> to vector<2048x8xf32>
    %eq3A_7 = arith.cmpf oeq, %dot_general3A_5, %eq3A : vector<2048x8xf32>
    %jit3A = arith.constant 9 : i32
    %broadcast_in_dim3A_8 = vector.broadcast %jit3A : i32 to vector<2048x8xi32>
    %select_n3A = arith.select %eq3A_7, %iota3A, %broadcast_in_dim3A_8 : vector<2048x8xi1>, vector<2048x8xi32>
    %reduce_min3A = arith.constant dense<2147483647> : vector<2048xi32>
    %reduce_min3A_9 = vector.multi_reduction <minsi>, %select_n3A, %reduce_min3A [1] : vector<2048x8xi32> to vector<2048xi32>
    %broadcast_in_dim3A_10 = vector.shape_cast %reduce_min3A_9 : vector<2048xi32> to vector<2048x1xi32>
    %eq3A_11 = vector.broadcast %broadcast_in_dim3A_10 : vector<2048x1xi32> to vector<2048x8xi32>
    %eq3A_12 = arith.cmpi eq, %iota3A, %eq3A_11 : vector<2048x8xi32>
    %jit3A_13 = arith.constant 0xFF800000 : f32
    %broadcast_in_dim3A_14 = vector.broadcast %jit3A_13 : f32 to vector<2048x8xf32>
    %select_n3A_15 = arith.select %eq3A_12, %broadcast_in_dim3A_14, %dot_general3A_5 : vector<2048x8xi1>, vector<2048x8xf32>
    %reduce_max3A_16 = arith.constant dense<0xFF800000> : vector<2048xf32>
    %reduce_max3A_17 = vector.multi_reduction <maximumf>, %select_n3A_15, %reduce_max3A_16 [1] : vector<2048x8xf32> to vector<2048xf32>
    %broadcast_in_dim3A_18 = vector.shape_cast %reduce_max3A_17 : vector<2048xf32> to vector<2048x1xf32>
    %eq3A_19 = vector.broadcast %broadcast_in_dim3A_18 : vector<2048x1xf32> to vector<2048x8xf32>
    %eq3A_20 = arith.cmpf oeq, %select_n3A_15, %eq3A_19 : vector<2048x8xf32>
    %jit3A_21 = arith.constant 9 : i32
    %broadcast_in_dim3A_22 = vector.broadcast %jit3A_21 : i32 to vector<2048x8xi32>
    %select_n3A_23 = arith.select %eq3A_20, %iota3A, %broadcast_in_dim3A_22 : vector<2048x8xi1>, vector<2048x8xi32>
    %reduce_min3A_24 = arith.constant dense<2147483647> : vector<2048xi32>
    %reduce_min3A_25 = vector.multi_reduction <minsi>, %select_n3A_23, %reduce_min3A_24 [1] : vector<2048x8xi32> to vector<2048xi32>
    %broadcast_in_dim3A_26 = vector.shape_cast %reduce_min3A_25 : vector<2048xi32> to vector<2048x1xi32>
    %sub3A = arith.subf %broadcast_in_dim3A, %broadcast_in_dim3A_18 : vector<2048x1xf32>
    %logistic3A = arith.negf %sub3A : vector<2048x1xf32>
    %logistic3A_27 = math.exp %logistic3A : vector<2048x1xf32>
    %logistic3A_28 = arith.constant 1.000000e+00 : f32
    %logistic3A_29 = vector.broadcast %logistic3A_28 : f32 to vector<2048x1xf32>
    %logistic3A_30 = arith.addf %logistic3A_29, %logistic3A_27 : vector<2048x1xf32>
    %logistic3A_31 = arith.divf %logistic3A_29, %logistic3A_30 : vector<2048x1xf32>
    %sub3A_32 = arith.constant 1.000000e+00 : f32
    %sub3A_33 = vector.broadcast %sub3A_32 : f32 to vector<2048x1xf32>
    %sub3A_34 = arith.subf %sub3A_33, %logistic3A_31 : vector<2048x1xf32>
    %reduce_max3A_35 = arith.constant dense<0xFF800000> : vector<2048xf32>
    %reduce_max3A_36 = vector.multi_reduction <maximumf>, %dot_general3A_5, %reduce_max3A_35 [1] : vector<2048x8xf32> to vector<2048xf32>
    %max3A = arith.constant 0xFF800000 : f32
    %max3A_37 = vector.broadcast %max3A : f32 to vector<2048xf32>
    %max3A_38 = arith.maximumf %max3A_37, %reduce_max3A_36 : vector<2048xf32>
    %broadcast_in_dim3A_39 = vector.shape_cast %max3A_38 : vector<2048xf32> to vector<2048x1xf32>
    %sub3A_40 = vector.broadcast %broadcast_in_dim3A_39 : vector<2048x1xf32> to vector<2048x8xf32>
    %sub3A_41 = arith.subf %dot_general3A_5, %sub3A_40 : vector<2048x8xf32>
    %exp3A = math.exp %sub3A_41 : vector<2048x8xf32>
    %reduce_sum3A = arith.constant dense<0.000000e+00> : vector<2048xf32>
    %reduce_sum3A_42 = vector.multi_reduction <add>, %exp3A, %reduce_sum3A [1] : vector<2048x8xf32> to vector<2048xf32>
    %broadcast_in_dim3A_43 = vector.shape_cast %reduce_sum3A_42 : vector<2048xf32> to vector<2048x1xf32>
    %div3A = vector.broadcast %broadcast_in_dim3A_43 : vector<2048x1xf32> to vector<2048x8xf32>
    %div3A_44 = arith.divf %exp3A, %div3A : vector<2048x8xf32>
    %reduce_sum3A_45 = arith.constant dense<0.000000e+00> : vector<8xf32>
    %reduce_sum3A_46 = vector.multi_reduction <add>, %div3A_44, %reduce_sum3A_45 [0] : vector<2048x8xf32> to vector<8xf32>
    %mul3A = arith.mulf %reduce_sum3A_46, %reduce_sum3A_46 : vector<8xf32>
    %reduce_sum3A_47 = vector.shape_cast %mul3A : vector<8xf32> to vector<1x8xf32>
    %reduce_sum3A_48 = arith.constant dense<0.000000e+00> : vector<1xf32>
    %reduce_sum3A_49 = vector.multi_reduction <add>, %reduce_sum3A_47, %reduce_sum3A_48 [1] : vector<1x8xf32> to vector<1xf32>
    %reduce_sum3A_50 = vector.shape_cast %reduce_sum3A_49 : vector<1xf32> to vector<1x1xf32>
    %reduce_sum3A_51 = vector.extract %reduce_sum3A_50[0, 0] : f32 from vector<1x1xf32>
    %mul3A_52 = arith.constant 8.000000e+00 : f32
    %mul3A_53 = arith.mulf %mul3A_52, %reduce_sum3A_51 : f32
    %div3A_54 = arith.constant 0x4A800000 : f32
    %div3A_55 = arith.divf %mul3A_53, %div3A_54 : f32
    %swap3A = arith.constant 0 : index
    %swap3A_56 = arith.constant 0 : index
    %swap3A_57 = memref.load %arg6[%swap3A, %swap3A_56] : memref<1x1xf32, #tpu.memory_space<smem>>
    memref.store %div3A_55, %arg6[%swap3A, %swap3A_56] : memref<1x1xf32, #tpu.memory_space<smem>>
    %eq3A_58 = vector.broadcast %broadcast_in_dim3A_10 : vector<2048x1xi32> to vector<2048x8xi32>
    %eq3A_59 = arith.cmpi eq, %iota3A, %eq3A_58 : vector<2048x8xi32>
    %jit3A_60 = arith.constant 1.000000e+00 : f32
    %jit3A_61 = arith.constant 0.000000e+00 : f32
    %broadcast_in_dim3A_62 = vector.broadcast %jit3A_60 : f32 to vector<2048x8xf32>
    %broadcast_in_dim3A_63 = vector.broadcast %jit3A_61 : f32 to vector<2048x8xf32>
    %select_n3A_64 = arith.select %eq3A_59, %broadcast_in_dim3A_62, %broadcast_in_dim3A_63 : vector<2048x8xi1>, vector<2048x8xf32>
    %eq3A_65 = vector.broadcast %broadcast_in_dim3A_26 : vector<2048x1xi32> to vector<2048x8xi32>
    %eq3A_66 = arith.cmpi eq, %iota3A, %eq3A_65 : vector<2048x8xi32>
    %jit3A_67 = arith.constant 1.000000e+00 : f32
    %jit3A_68 = arith.constant 0.000000e+00 : f32
    %broadcast_in_dim3A_69 = vector.broadcast %jit3A_67 : f32 to vector<2048x8xf32>
    %broadcast_in_dim3A_70 = vector.broadcast %jit3A_68 : f32 to vector<2048x8xf32>
    %select_n3A_71 = arith.select %eq3A_66, %broadcast_in_dim3A_69, %broadcast_in_dim3A_70 : vector<2048x8xi1>, vector<2048x8xf32>
    %add3A = arith.addf %select_n3A_64, %select_n3A_71 : vector<2048x8xf32>
    %iota3A_72 = tpu.iota {dimensions = array<i32: 0>} : vector<2048x2048xi32>
    %iota3A_73 = tpu.iota {dimensions = array<i32: 1>} : vector<2048x2048xi32>
    %lt3A = arith.cmpi slt, %iota3A_73, %iota3A_72 : vector<2048x2048xi32>
    %jit3A_74 = arith.constant 1.000000e+00 : f32
    %jit3A_75 = arith.constant 0.000000e+00 : f32
    %broadcast_in_dim3A_76 = vector.broadcast %jit3A_74 : f32 to vector<2048x2048xf32>
    %broadcast_in_dim3A_77 = vector.broadcast %jit3A_75 : f32 to vector<2048x2048xf32>
    %select_n3A_78 = arith.select %lt3A, %broadcast_in_dim3A_76, %broadcast_in_dim3A_77 : vector<2048x2048xi1>, vector<2048x2048xf32>
    %dot_general3A_79 = arith.constant dense<0.000000e+00> : vector<2048x8xf32>
    %dot_general3A_80 = tpu.matmul %select_n3A_78, %add3A, %dot_general3A_79 {dimension_numbers = #tpu.dot_dimension_numbers<[1], [0], [0], [1], [0, 0, 1, 1], [], []>, transpose_lhs_hint = false} : vector<2048x2048xf32>, vector<2048x8xf32>, vector<2048x8xf32> -> vector<2048x8xf32>
    %reduce_sum3A_81 = arith.constant dense<0.000000e+00> : vector<8xf32>
    %reduce_sum3A_82 = vector.multi_reduction <add>, %add3A, %reduce_sum3A_81 [0] : vector<2048x8xf32> to vector<8xf32>
    %broadcast_in_dim3A_83 = vector.shape_cast %reduce_sum3A_82 : vector<8xf32> to vector<1x8xf32>
    %convert_element_type3A = arith.fptosi %broadcast_in_dim3A_83 : vector<1x8xf32> to vector<1x8xi32>
    %add3A_84 = arith.constant 255 : i32
    %add3A_85 = vector.broadcast %add3A_84 : i32 to vector<1x8xi32>
    %add3A_86 = arith.addi %convert_element_type3A, %add3A_85 : vector<1x8xi32>
    %jit3A_87 = arith.constant 256 : i32
    %div3A_88 = vector.broadcast %jit3A_87 : i32 to vector<1x8xi32>
    %div3A_89 = arith.divsi %add3A_86, %div3A_88 : vector<1x8xi32>
    %sign3A = arith.constant 0 : i32
    %sign3A_90 = vector.broadcast %sign3A : i32 to vector<1x8xi32>
    %sign3A_91 = arith.cmpi sgt, %add3A_86, %sign3A_90 : vector<1x8xi32>
    %sign3A_92 = arith.extui %sign3A_91 : vector<1x8xi1> to vector<1x8xi32>
    %sign3A_93 = arith.constant 0 : i32
    %sign3A_94 = vector.broadcast %sign3A_93 : i32 to vector<1x8xi32>
    %sign3A_95 = arith.cmpi slt, %add3A_86, %sign3A_94 : vector<1x8xi32>
    %sign3A_96 = arith.extui %sign3A_95 : vector<1x8xi1> to vector<1x8xi32>
    %sign3A_97 = arith.subi %sign3A_92, %sign3A_96 : vector<1x8xi32>
    %sign3A_98 = arith.constant 0 : i32
    %sign3A_99 = arith.cmpi sgt, %jit3A_87, %sign3A_98 : i32
    %sign3A_100 = arith.extui %sign3A_99 : i1 to i32
    %sign3A_101 = arith.constant 0 : i32
    %sign3A_102 = arith.cmpi slt, %jit3A_87, %sign3A_101 : i32
    %sign3A_103 = arith.extui %sign3A_102 : i1 to i32
    %sign3A_104 = arith.subi %sign3A_100, %sign3A_103 : i32
    %ne3A = vector.broadcast %sign3A_104 : i32 to vector<1x8xi32>
    %ne3A_105 = arith.cmpi ne, %sign3A_97, %ne3A : vector<1x8xi32>
    %rem3A = vector.broadcast %jit3A_87 : i32 to vector<1x8xi32>
    %rem3A_106 = arith.remsi %add3A_86, %rem3A : vector<1x8xi32>
    %ne3A_107 = arith.constant 0 : i32
    %ne3A_108 = vector.broadcast %ne3A_107 : i32 to vector<1x8xi32>
    %ne3A_109 = arith.cmpi ne, %rem3A_106, %ne3A_108 : vector<1x8xi32>
    %and3A = arith.andi %ne3A_105, %ne3A_109 : vector<1x8xi1>
    %sub3A_110 = arith.constant 1 : i32
    %sub3A_111 = vector.broadcast %sub3A_110 : i32 to vector<1x8xi32>
    %sub3A_112 = arith.subi %div3A_89, %sub3A_111 : vector<1x8xi32>
    %select_n3A_113 = arith.select %and3A, %sub3A_112, %div3A_89 : vector<1x8xi1>, vector<1x8xi32>
    %iota3A_114 = tpu.iota {dimensions = array<i32: 0>} : vector<8x8xi32>
    %iota3A_115 = tpu.iota {dimensions = array<i32: 1>} : vector<8x8xi32>
    %lt3A_116 = arith.cmpi slt, %iota3A_115, %iota3A_114 : vector<8x8xi32>
    %jit3A_117 = arith.constant 0 : i32
    %broadcast_in_dim3A_118 = vector.shape_cast %select_n3A_113 : vector<1x8xi32> to vector<1x8xi32>
    %broadcast_in_dim3A_119 = vector.broadcast %broadcast_in_dim3A_118 : vector<1x8xi32> to vector<8x8xi32>
    %broadcast_in_dim3A_120 = vector.broadcast %jit3A_117 : i32 to vector<8x8xi32>
    %select_n3A_121 = arith.select %lt3A_116, %broadcast_in_dim3A_119, %broadcast_in_dim3A_120 : vector<8x8xi1>, vector<8x8xi32>
    %reduce_sum3A_122 = arith.constant dense<0> : vector<8xi32>
    %reduce_sum3A_123 = vector.multi_reduction <add>, %select_n3A_121, %reduce_sum3A_122 [1] : vector<8x8xi32> to vector<8xi32>
    %broadcast_in_dim3A_124 = vector.shape_cast %reduce_sum3A_123 : vector<8xi32> to vector<8x1xi32>
    %reshape3A = vector.shape_cast %broadcast_in_dim3A_124 : vector<8x1xi32> to vector<1x8xi32>
    %mul3A_125 = arith.constant 256 : i32
    %mul3A_126 = vector.broadcast %mul3A_125 : i32 to vector<1x8xi32>
    %mul3A_127 = arith.muli %reshape3A, %mul3A_126 : vector<1x8xi32>
    %convert_element_type3A_128 = arith.sitofp %mul3A_127 : vector<1x8xi32> to vector<1x8xf32>
    %add3A_129 = vector.broadcast %convert_element_type3A_128 : vector<1x8xf32> to vector<2048x8xf32>
    %add3A_130 = arith.addf %add3A_129, %dot_general3A_80 : vector<2048x8xf32>
    %eq3A_131 = vector.broadcast %broadcast_in_dim3A_10 : vector<2048x1xi32> to vector<2048x8xi32>
    %eq3A_132 = arith.cmpi eq, %iota3A, %eq3A_131 : vector<2048x8xi32>
    %jit3A_133 = arith.constant 0.000000e+00 : f32
    %broadcast_in_dim3A_134 = vector.broadcast %jit3A_133 : f32 to vector<2048x8xf32>
    %select_n3A_135 = arith.select %eq3A_132, %add3A_130, %broadcast_in_dim3A_134 : vector<2048x8xi1>, vector<2048x8xf32>
    %reduce_sum3A_136 = arith.constant dense<0.000000e+00> : vector<2048xf32>
    %reduce_sum3A_137 = vector.multi_reduction <add>, %select_n3A_135, %reduce_sum3A_136 [1] : vector<2048x8xf32> to vector<2048xf32>
    %broadcast_in_dim3A_138 = vector.shape_cast %reduce_sum3A_137 : vector<2048xf32> to vector<2048x1xf32>
    %eq3A_139 = vector.broadcast %broadcast_in_dim3A_26 : vector<2048x1xi32> to vector<2048x8xi32>
    %eq3A_140 = arith.cmpi eq, %iota3A, %eq3A_139 : vector<2048x8xi32>
    %jit3A_141 = arith.constant 0.000000e+00 : f32
    %broadcast_in_dim3A_142 = vector.broadcast %jit3A_141 : f32 to vector<2048x8xf32>
    %select_n3A_143 = arith.select %eq3A_140, %add3A_130, %broadcast_in_dim3A_142 : vector<2048x8xi1>, vector<2048x8xf32>
    %reduce_sum3A_144 = arith.constant dense<0.000000e+00> : vector<2048xf32>
    %reduce_sum3A_145 = vector.multi_reduction <add>, %select_n3A_143, %reduce_sum3A_144 [1] : vector<2048x8xf32> to vector<2048xf32>
    %broadcast_in_dim3A_146 = vector.shape_cast %reduce_sum3A_145 : vector<2048xf32> to vector<2048x1xf32>
    %reshape3A_147 = vector.shape_cast %broadcast_in_dim3A_138 : vector<2048x1xf32> to vector<1x2048xf32>
    %reshape3A_148 = vector.shape_cast %broadcast_in_dim3A_146 : vector<2048x1xf32> to vector<1x2048xf32>
    %concatenate3A = tpu.concatenate %reshape3A_147, %reshape3A_148 in 0 : vector<1x2048xf32>, vector<1x2048xf32> -> vector<2x2048xf32>
    %convert_element_type3A_149 = arith.fptosi %concatenate3A : vector<2x2048xf32> to vector<2x2048xi32>
    %swap3A_150 = arith.constant 0 : index
    %swap3A_151 = arith.constant 0 : index
    %swap3A_152 = vector.load %arg2[%swap3A_150, %swap3A_151] : memref<2x2048xi32, #tpu.memory_space<vmem>>, vector<2x2048xi32>
    tpu.vector_store %arg2[%swap3A_150, %swap3A_151], %convert_element_type3A_149 {strides = array<i32>} : memref<2x2048xi32, #tpu.memory_space<vmem>>, vector<2x2048xi32>,
    %reshape3A_153 = vector.shape_cast %logistic3A_31 : vector<2048x1xf32> to vector<1x2048xf32>
    %reshape3A_154 = vector.shape_cast %sub3A_34 : vector<2048x1xf32> to vector<1x2048xf32>
    %concatenate3A_155 = tpu.concatenate %reshape3A_153, %reshape3A_154 in 0 : vector<1x2048xf32>, vector<1x2048xf32> -> vector<2x2048xf32>
    %swap3A_156 = arith.constant 0 : index
    %swap3A_157 = arith.constant 0 : index
    %swap3A_158 = vector.load %arg3[%swap3A_156, %swap3A_157] : memref<2x2048xf32, #tpu.memory_space<vmem>>, vector<2x2048xf32>
    tpu.vector_store %arg3[%swap3A_156, %swap3A_157], %concatenate3A_155 {strides = array<i32>} : memref<2x2048xf32, #tpu.memory_space<vmem>>, vector<2x2048xf32>,
    %reduce_sum3A_159 = vector.shape_cast %select_n3A_113 : vector<1x8xi32> to vector<1x1x8xi32>
    %reduce_sum3A_160 = arith.constant dense<0> : vector<1xi32>
    %reduce_sum3A_161 = vector.multi_reduction <add>, %reduce_sum3A_159, %reduce_sum3A_160 [1, 2] : vector<1x1x8xi32> to vector<1xi32>
    %reduce_sum3A_162 = vector.shape_cast %reduce_sum3A_161 : vector<1xi32> to vector<1x1x1xi32>
    %reduce_sum3A_163 = vector.extract %reduce_sum3A_162[0, 0, 0] : i32 from vector<1x1x1xi32>
    %swap3A_164 = arith.constant 0 : index
    %swap3A_165 = arith.constant 0 : index
    %swap3A_166 = memref.load %arg5[%swap3A_164, %swap3A_165] : memref<1x1xi32, #tpu.memory_space<smem>>
    memref.store %reduce_sum3A_163, %arg5[%swap3A_164, %swap3A_165] : memref<1x1xi32, #tpu.memory_space<smem>>
    %reshape3A_167 = vector.shape_cast %select_n3A_113 : vector<1x8xi32> to vector<8x1xi32>
    %add3A_168 = arith.addi %broadcast_in_dim3A_124, %reshape3A_167 : vector<8x1xi32>
    %iota3A_169 = tpu.iota {dimensions = array<i32: 1>} : vector<8x24xi32>
    %ge3A = vector.broadcast %add3A_168 : vector<8x1xi32> to vector<8x24xi32>
    %ge3A_170 = arith.cmpi sge, %iota3A_169, %ge3A : vector<8x24xi32>
    %jit3A_171 = arith.constant 1 : i32
    %jit3A_172 = arith.constant 0 : i32
    %broadcast_in_dim3A_173 = vector.broadcast %jit3A_171 : i32 to vector<8x24xi32>
    %broadcast_in_dim3A_174 = vector.broadcast %jit3A_172 : i32 to vector<8x24xi32>
    %select_n3A_175 = arith.select %ge3A_170, %broadcast_in_dim3A_173, %broadcast_in_dim3A_174 : vector<8x24xi1>, vector<8x24xi32>
    %reduce_sum3A_176 = arith.constant dense<0> : vector<24xi32>
    %reduce_sum3A_177 = vector.multi_reduction <add>, %select_n3A_175, %reduce_sum3A_176 [0] : vector<8x24xi32> to vector<24xi32>
    %broadcast_in_dim3A_178 = vector.shape_cast %reduce_sum3A_177 : vector<24xi32> to vector<1x24xi32>
    %min3A = arith.constant 7 : i32
    %min3A_179 = vector.broadcast %min3A : i32 to vector<1x24xi32>
    %min3A_180 = arith.minsi %broadcast_in_dim3A_178, %min3A_179 : vector<1x24xi32>
    %swap3A_181 = arith.constant 0 : index
    %swap3A_182 = arith.constant 0 : index
    %swap3A_183 = vector.load %arg4[%swap3A_181, %swap3A_182] : memref<1x24xi32, #tpu.memory_space<vmem>>, vector<1x24xi32>
    tpu.vector_store %arg4[%swap3A_181, %swap3A_182], %min3A_180 {strides = array<i32>} : memref<1x24xi32, #tpu.memory_space<vmem>>, vector<1x24xi32>,
    return
  }
}

module attributes {stable_mosaic.version = 14 : i64} {
  func.func @_combine_body(%arg0: memref<2048x1024xf32, #tpu.memory_space<vmem>>, %arg1: memref<2048x1024xf32, #tpu.memory_space<vmem>>, %arg2: memref<2x2048xf32, #tpu.memory_space<vmem>>, %arg3: memref<2048x1024xf32, #tpu.memory_space<vmem>>) attributes {dimension_semantics = [], scalar_prefetch = 0 : i64, scratch_operands = 0 : i64, tpu.core_type = #tpu.core_type<tc>} {
    %get3A = arith.constant 0 : index
    %get3A_0 = arith.constant 0 : index
    %get3A_1 = vector.load %arg2[%get3A, %get3A_0] : memref<2x2048xf32, #tpu.memory_space<vmem>>, vector<1x2048xf32>
    %get3A_2 = vector.shape_cast %get3A_1 : vector<1x2048xf32> to vector<2048xf32>
    %reshape3A = vector.shape_cast %get3A_2 : vector<2048xf32> to vector<2048x1xf32>
    %get3A_3 = arith.constant 1 : index
    %get3A_4 = arith.constant 0 : index
    %get3A_5 = vector.load %arg2[%get3A_3, %get3A_4] : memref<2x2048xf32, #tpu.memory_space<vmem>>, vector<1x2048xf32>
    %get3A_6 = vector.shape_cast %get3A_5 : vector<1x2048xf32> to vector<2048xf32>
    %reshape3A_7 = vector.shape_cast %get3A_6 : vector<2048xf32> to vector<2048x1xf32>
    %get3A_8 = arith.constant 0 : index
    %get3A_9 = arith.constant 0 : index
    %get3A_10 = vector.load %arg0[%get3A_8, %get3A_9] : memref<2048x1024xf32, #tpu.memory_space<vmem>>, vector<2048x1024xf32>
    %mul3A = vector.broadcast %reshape3A : vector<2048x1xf32> to vector<2048x1024xf32>
    %mul3A_11 = arith.mulf %get3A_10, %mul3A : vector<2048x1024xf32>
    %get3A_12 = arith.constant 0 : index
    %get3A_13 = arith.constant 0 : index
    %get3A_14 = vector.load %arg1[%get3A_12, %get3A_13] : memref<2048x1024xf32, #tpu.memory_space<vmem>>, vector<2048x1024xf32>
    %mul3A_15 = vector.broadcast %reshape3A_7 : vector<2048x1xf32> to vector<2048x1024xf32>
    %mul3A_16 = arith.mulf %get3A_14, %mul3A_15 : vector<2048x1024xf32>
    %add3A = arith.addf %mul3A_11, %mul3A_16 : vector<2048x1024xf32>
    %swap3A = arith.constant 0 : index
    %swap3A_17 = arith.constant 0 : index
    %swap3A_18 = vector.load %arg3[%swap3A, %swap3A_17] : memref<2048x1024xf32, #tpu.memory_space<vmem>>, vector<2048x1024xf32>
    tpu.vector_store %arg3[%swap3A, %swap3A_17], %add3A {strides = array<i32>} : memref<2048x1024xf32, #tpu.memory_space<vmem>>, vector<2048x1024xf32>,
    return
  }
}

module attributes {stable_mosaic.version = 14 : i64} {
  func.func @_gmm_body(%arg0: i32, %arg1: i32, %arg2: memref<24xi32, #tpu.memory_space<smem>>, %arg3: memref<1xi32, #tpu.memory_space<smem>>, %arg4: memref<6144x1024xf32, #tpu.memory_space<vmem>>, %arg5: memref<1x1024x1024xf32, #tpu.memory_space<vmem>>, %arg6: memref<1x1024x1024xf32, #tpu.memory_space<vmem>>, %arg7: memref<1x1024x1024xf32, #tpu.memory_space<vmem>>, %arg8: memref<256x1024xf32, #tpu.memory_space<vmem>>, %arg9: memref<6144x1024xbf16, #tpu.memory_space<vmem>>) attributes {dimension_semantics = [#tpu.dimension_semantics<arbitrary>, #tpu.dimension_semantics<arbitrary>], iteration_bounds = array<i64: 4, 24>, scalar_prefetch = 2 : i64, scratch_operands = 1 : i64, tpu.core_type = #tpu.core_type<tc>, window_params = [{pipeline_mode = #tpu.pipeline_mode<synchronous>, transform_indices = @transform_0, window_bounds = array<i64: 6144, 1024>}, {transform_indices = @transform_1, window_bounds = array<i64: 1, 1024, 1024>}, {transform_indices = @transform_2, window_bounds = array<i64: 1, 1024, 1024>}, {transform_indices = @transform_3, window_bounds = array<i64: 1, 1024, 1024>}, {transform_indices = @transform_4, window_bounds = array<i64: 256, 1024>}]} {
    %get3A = arith.constant 0 : index
    %get3A_0 = memref.load %arg3[%get3A] : memref<1xi32, #tpu.memory_space<smem>>
    %sub3A = arith.constant 1 : i32
    %sub3A_1 = arith.subi %get3A_0, %sub3A : i32
    %min3A = arith.minsi %arg1, %sub3A_1 : i32
    %get3A_2 = arith.constant 0 : index
    %get3A_3 = memref.load %arg3[%get3A_2] : memref<1xi32, #tpu.memory_space<smem>>
    %lt3A = arith.cmpi slt, %arg1, %get3A_3 : i32
    %convert_element_type3A = arith.extui %lt3A : i1 to i32
    %cond3A = arith.constant 0 : i32
    %cond3A_4 = arith.cmpi ne, %convert_element_type3A, %cond3A : i32
    scf.if %cond3A_4 {
      %mul3A = arith.constant 256 : i32
      %mul3A_5 = arith.muli %min3A, %mul3A : i32
      %get3A_6 = arith.index_cast %mul3A_5 : i32 to index
      %get3A_7 = arith.constant 0 : index
      %get3A_8 = vector.load %arg4[%get3A_6, %get3A_7] : memref<6144x1024xf32, #tpu.memory_space<vmem>>, vector<256x1024xf32>
      %get3A_9 = arith.constant 0 : index
      %get3A_10 = arith.constant 0 : index
      %get3A_11 = arith.constant 0 : index
      %get3A_12 = vector.load %arg5[%get3A_9, %get3A_10, %get3A_11] : memref<1x1024x1024xf32, #tpu.memory_space<vmem>>, vector<1x1024x1024xf32>
      %get3A_13 = vector.shape_cast %get3A_12 : vector<1x1024x1024xf32> to vector<1024x1024xf32>
      %dot_general3A = arith.constant dense<0.000000e+00> : vector<256x1024xf32>
      %dot_general3A_14 = tpu.matmul %get3A_8, %get3A_13, %dot_general3A {dimension_numbers = #tpu.dot_dimension_numbers<[1], [1], [0], [0], [0, 0, 1, 0], [], []>, transpose_lhs_hint = false} : vector<256x1024xf32>, vector<1024x1024xf32>, vector<256x1024xf32> -> vector<256x1024xf32>
      %get3A_15 = arith.constant 0 : index
      %get3A_16 = arith.constant 0 : index
      %get3A_17 = arith.constant 0 : index
      %get3A_18 = vector.load %arg6[%get3A_15, %get3A_16, %get3A_17] : memref<1x1024x1024xf32, #tpu.memory_space<vmem>>, vector<1x1024x1024xf32>
      %get3A_19 = vector.shape_cast %get3A_18 : vector<1x1024x1024xf32> to vector<1024x1024xf32>
      %dot_general3A_20 = arith.constant dense<0.000000e+00> : vector<256x1024xf32>
      %dot_general3A_21 = tpu.matmul %get3A_8, %get3A_19, %dot_general3A_20 {dimension_numbers = #tpu.dot_dimension_numbers<[1], [1], [0], [0], [0, 0, 1, 0], [], []>, transpose_lhs_hint = false} : vector<256x1024xf32>, vector<1024x1024xf32>, vector<256x1024xf32> -> vector<256x1024xf32>
      %logistic3A = arith.negf %dot_general3A_14 : vector<256x1024xf32>
      %logistic3A_22 = math.exp %logistic3A : vector<256x1024xf32>
      %logistic3A_23 = arith.constant 1.000000e+00 : f32
      %logistic3A_24 = vector.broadcast %logistic3A_23 : f32 to vector<256x1024xf32>
      %logistic3A_25 = arith.addf %logistic3A_24, %logistic3A_22 : vector<256x1024xf32>
      %logistic3A_26 = arith.divf %logistic3A_24, %logistic3A_25 : vector<256x1024xf32>
      %mul3A_27 = arith.mulf %dot_general3A_14, %logistic3A_26 : vector<256x1024xf32>
      %mul3A_28 = arith.mulf %mul3A_27, %dot_general3A_21 : vector<256x1024xf32>
      %get3A_29 = arith.constant 0 : index
      %get3A_30 = arith.constant 0 : index
      %get3A_31 = arith.constant 0 : index
      %get3A_32 = vector.load %arg7[%get3A_29, %get3A_30, %get3A_31] : memref<1x1024x1024xf32, #tpu.memory_space<vmem>>, vector<1x1024x1024xf32>
      %get3A_33 = vector.shape_cast %get3A_32 : vector<1x1024x1024xf32> to vector<1024x1024xf32>
      %dot_general3A_34 = arith.constant dense<0.000000e+00> : vector<256x1024xf32>
      %dot_general3A_35 = tpu.matmul %mul3A_28, %get3A_33, %dot_general3A_34 {dimension_numbers = #tpu.dot_dimension_numbers<[1], [1], [0], [0], [0, 0, 1, 0], [], []>, transpose_lhs_hint = false} : vector<256x1024xf32>, vector<1024x1024xf32>, vector<256x1024xf32> -> vector<256x1024xf32>
      %eq3A = arith.constant 0 : i32
      %eq3A_36 = arith.cmpi eq, %arg0, %eq3A : i32
      %convert_element_type3A_37 = arith.extui %eq3A_36 : i1 to i32
      %cond3A_38 = arith.constant 0 : i32
      %cond3A_39 = arith.cmpi ne, %convert_element_type3A_37, %cond3A_38 : i32
      scf.if %cond3A_39 {
        %convert_element_type3A_51 = arith.truncf %dot_general3A_35 : vector<256x1024xf32> to vector<256x1024xbf16>
        %mul3A_52 = arith.constant 256 : i32
        %mul3A_53 = arith.muli %min3A, %mul3A_52 : i32
        %swap3A = arith.index_cast %mul3A_53 : i32 to index
        %swap3A_54 = arith.constant 0 : index
        %swap3A_55 = vector.load %arg9[%swap3A, %swap3A_54] : memref<6144x1024xbf16, #tpu.memory_space<vmem>>, vector<256x1024xbf16>
        tpu.vector_store %arg9[%swap3A, %swap3A_54], %convert_element_type3A_51 {strides = array<i32>} : memref<6144x1024xbf16, #tpu.memory_space<vmem>>, vector<256x1024xbf16>,
      } else {
      }
      %ne3A = arith.constant 0 : i32
      %ne3A_40 = arith.cmpi ne, %arg0, %ne3A : i32
      %ne3A_41 = arith.constant 3 : i32
      %ne3A_42 = arith.cmpi ne, %arg0, %ne3A_41 : i32
      %and3A = arith.andi %ne3A_40, %ne3A_42 : i1
      %convert_element_type3A_43 = arith.extui %and3A : i1 to i32
      %cond3A_44 = arith.constant 0 : i32
      %cond3A_45 = arith.cmpi ne, %convert_element_type3A_43, %cond3A_44 : i32
      scf.if %cond3A_45 {
        %mul3A_51 = arith.constant 256 : i32
        %mul3A_52 = arith.muli %min3A, %mul3A_51 : i32
        %get3A_53 = arith.index_cast %mul3A_52 : i32 to index
        %get3A_54 = arith.constant 0 : index
        %get3A_55 = vector.load %arg9[%get3A_53, %get3A_54] : memref<6144x1024xbf16, #tpu.memory_space<vmem>>, vector<256x1024xbf16>
        %convert_element_type3A_56 = arith.extf %get3A_55 : vector<256x1024xbf16> to vector<256x1024xf32>
        %add3A = arith.addf %convert_element_type3A_56, %dot_general3A_35 : vector<256x1024xf32>
        %convert_element_type3A_57 = arith.truncf %add3A : vector<256x1024xf32> to vector<256x1024xbf16>
        %mul3A_58 = arith.constant 256 : i32
        %mul3A_59 = arith.muli %min3A, %mul3A_58 : i32
        %swap3A = arith.index_cast %mul3A_59 : i32 to index
        %swap3A_60 = arith.constant 0 : index
        %swap3A_61 = vector.load %arg9[%swap3A, %swap3A_60] : memref<6144x1024xbf16, #tpu.memory_space<vmem>>, vector<256x1024xbf16>
        tpu.vector_store %arg9[%swap3A, %swap3A_60], %convert_element_type3A_57 {strides = array<i32>} : memref<6144x1024xbf16, #tpu.memory_space<vmem>>, vector<256x1024xbf16>,
      } else {
      }
      %eq3A_46 = arith.constant 3 : i32
      %eq3A_47 = arith.cmpi eq, %arg0, %eq3A_46 : i32
      %convert_element_type3A_48 = arith.extui %eq3A_47 : i1 to i32
      %cond3A_49 = arith.constant 0 : i32
      %cond3A_50 = arith.cmpi ne, %convert_element_type3A_48, %cond3A_49 : i32
      scf.if %cond3A_50 {
        %mul3A_51 = arith.constant 256 : i32
        %mul3A_52 = arith.muli %min3A, %mul3A_51 : i32
        %get3A_53 = arith.index_cast %mul3A_52 : i32 to index
        %get3A_54 = arith.constant 0 : index
        %get3A_55 = vector.load %arg9[%get3A_53, %get3A_54] : memref<6144x1024xbf16, #tpu.memory_space<vmem>>, vector<256x1024xbf16>
        %convert_element_type3A_56 = arith.extf %get3A_55 : vector<256x1024xbf16> to vector<256x1024xf32>
        %add3A = arith.addf %convert_element_type3A_56, %dot_general3A_35 : vector<256x1024xf32>
        %swap3A = arith.constant 0 : index
        %swap3A_57 = arith.constant 0 : index
        %swap3A_58 = vector.load %arg8[%swap3A, %swap3A_57] : memref<256x1024xf32, #tpu.memory_space<vmem>>, vector<256x1024xf32>
        tpu.vector_store %arg8[%swap3A, %swap3A_57], %add3A {strides = array<i32>} : memref<256x1024xf32, #tpu.memory_space<vmem>>, vector<256x1024xf32>,
      } else {
      }
    } else {
    }
    return
  }
  func.func @transform_0(%arg0: i32, %arg1: i32, %arg2: memref<24xi32, #tpu.memory_space<smem>>, %arg3: memref<1xi32, #tpu.memory_space<smem>>) -> (i32, i32) {
    %c0_i32 = arith.constant 0 : i32
    %c0_i32_0 = arith.constant 0 : i32
    %c0_i32_1 = arith.constant 0 : i32
    return %c0_i32, %c0_i32_0 : i32, i32
  }
  func.func @transform_1(%arg0: i32, %arg1: i32, %arg2: memref<24xi32, #tpu.memory_space<smem>>, %arg3: memref<1xi32, #tpu.memory_space<smem>>) -> (i32, i32, i32) {
    %get3A = arith.constant 0 : index
    %get3A_0 = memref.load %arg3[%get3A] : memref<1xi32, #tpu.memory_space<smem>>
    %sub3A = arith.constant 1 : i32
    %sub3A_1 = arith.subi %get3A_0, %sub3A : i32
    %min3A = arith.minsi %arg1, %sub3A_1 : i32
    %get3A_2 = arith.index_cast %min3A : i32 to index
    %get3A_3 = memref.load %arg2[%get3A_2] : memref<24xi32, #tpu.memory_space<smem>>
    %c0_i32 = arith.constant 0 : i32
    %c0_i32_4 = arith.constant 0 : i32
    return %get3A_3, %arg0, %c0_i32 : i32, i32, i32
  }
  func.func @transform_2(%arg0: i32, %arg1: i32, %arg2: memref<24xi32, #tpu.memory_space<smem>>, %arg3: memref<1xi32, #tpu.memory_space<smem>>) -> (i32, i32, i32) {
    %get3A = arith.constant 0 : index
    %get3A_0 = memref.load %arg3[%get3A] : memref<1xi32, #tpu.memory_space<smem>>
    %sub3A = arith.constant 1 : i32
    %sub3A_1 = arith.subi %get3A_0, %sub3A : i32
    %min3A = arith.minsi %arg1, %sub3A_1 : i32
    %get3A_2 = arith.index_cast %min3A : i32 to index
    %get3A_3 = memref.load %arg2[%get3A_2] : memref<24xi32, #tpu.memory_space<smem>>
    %c0_i32 = arith.constant 0 : i32
    %c0_i32_4 = arith.constant 0 : i32
    return %get3A_3, %arg0, %c0_i32 : i32, i32, i32
  }
  func.func @transform_3(%arg0: i32, %arg1: i32, %arg2: memref<24xi32, #tpu.memory_space<smem>>, %arg3: memref<1xi32, #tpu.memory_space<smem>>) -> (i32, i32, i32) {
    %get3A = arith.constant 0 : index
    %get3A_0 = memref.load %arg3[%get3A] : memref<1xi32, #tpu.memory_space<smem>>
    %sub3A = arith.constant 1 : i32
    %sub3A_1 = arith.subi %get3A_0, %sub3A : i32
    %min3A = arith.minsi %arg1, %sub3A_1 : i32
    %get3A_2 = arith.index_cast %min3A : i32 to index
    %get3A_3 = memref.load %arg2[%get3A_2] : memref<24xi32, #tpu.memory_space<smem>>
    %c0_i32 = arith.constant 0 : i32
    %c0_i32_4 = arith.constant 0 : i32
    return %get3A_3, %c0_i32, %arg0 : i32, i32, i32
  }
  func.func @transform_4(%arg0: i32, %arg1: i32, %arg2: memref<24xi32, #tpu.memory_space<smem>>, %arg3: memref<1xi32, #tpu.memory_space<smem>>) -> (i32, i32) {
    %eq3A = arith.constant 3 : i32
    %eq3A_0 = arith.cmpi eq, %arg0, %eq3A : i32
    %get3A = arith.constant 0 : index
    %get3A_1 = memref.load %arg3[%get3A] : memref<1xi32, #tpu.memory_space<smem>>
    %sub3A = arith.constant 1 : i32
    %sub3A_2 = arith.subi %get3A_1, %sub3A : i32
    %min3A = arith.minsi %arg1, %sub3A_2 : i32
    %jit3A = arith.constant 0 : i32
    %select_n3A = arith.select %eq3A_0, %min3A, %jit3A : i32
    %c0_i32 = arith.constant 0 : i32
    %c0_i32_3 = arith.constant 0 : i32
    return %select_n3A, %c0_i32 : i32, i32
  }
}

</mosaic_0001>

<sc_bundles>
// kernel: kernel.10.cloned.1.call-start
scs
__scs_entry_jumppad:
0x0: {  	(pc) =	sbr.rel $0x88, $3  }
0x1: {  	(tag) =	ssettag $0x0;
	lr =	simm.s32 $0x1  }
0x2: {  	[smem:$0x3F9C] =	sst lr;
	_ =	strace $0xD0000000  }
0x3: {  	_ = 	snop  }
0x4: {  	_ = 	snop  }
0x5: {  	_ = 	snop  }
0x6: {  	_ = 	snop  }
0x7: {  	_ = 	snop  }
__scs_overlays_trampoline_lowered:
0x8: {  	[smem:$0x3FAB] =	sst s0  }
0x9: {  	[smem:$0x3FAC] =	sst s1  }
0xa: {  	[smem:$0x3FAD] =	sst s2  }
0xb: {  	[smem:$0x3FAE] =	sst s3  }
0xc: {  	[smem:$0x3FAF] =	sst s4  }
0xd: {  	[smem:$0x3FB0] =	sst s5  }
0xe: {  	[smem:$0x3FB1] =	sst s6  }
0xf: {  	[smem:$0x3FB2] =	sst s7  }
0x10: {  	[smem:$0x3FB3] =	sst s8  }
0x11: {  	[smem:$0x3FB4] =	sst s9;
	s0 =	simm.s32 @!p0 $0x0  }
0x12: {  	s1 =	sld [smem:$0x3F9A];
	s0 =	simm.s32 @p0 $0x1  }
0x13: {  	[smem:$0x3FB5] =	sst s0;
	s0 =	simm.s32 @!p1 $0x0  }
0x14: {  	s2 =	sld [smem:$0x3F99];
	s0 =	simm.s32 @p1 $0x1  }
0x15: {  	[smem:$0x3FB6] =	sst s0;
	s0 =	simm.s32 @!p2 $0x0  }
0x16: {  	s3 =	sld [smem:$0x3FDB];
	s0 =	simm.s32 @p2 $0x1  }
0x17: {  	s4 =	simm.s32 $0x1BF5;
	[smem:$0x3FB8] =	sst s0  }
0x18: {  	s0 =	sld [smem:$0x3F9B];
	_ =	swait.ge [sflag:s4], $0x0  }
0x19: {  	s7 =	sld [smem:$0x3F9C]  }
0x1a: {  	s8 =	sadd.s32 $0xFFFFE003, lr  }
0x1b: {  	s9 =	sadd.s32 $0xFFFFFEF7, lr;
	s5 =	simm.s32 $0xFFFFFFFF;
	p2 =	slt.u32 s8, $0xFFFFF086  }
0x1c: {  	p1 =	slt.u32 s9, $0xF7A;
	s5 =	simm.s32 @!p2 $0x0  }
0x1d: {  	s5 =	simm.s32 @p1 $0x1;
	p0 =	seq.s32 s7, s2  }
0x1e: {  	s7 =	smul.u32 @!p0 $0xF7A, s2;
	p2 =	seq.s32 @!p0 s5, $0x0  }
0x1f: {  	s9 =	smul.u32 $0xF7A, s1;
	s8 =	simm.s32 @!p0 $0x1BF5;
	p2 =	por !p2, p0  }
0x20: {  	[sflag:s8] =	ssyncset.s32 @!p0 $0xFFFFF086;
	s6 =	sadd.s32 @!p0 s3, s7;
	s7 =	simm.s32 @!p0 $0x108  }
0x21: {  	s3 =	sadd.s32 s3, s9;
	s6 =	sadd.s32 @!p0 $0x88, s6;
	s7 =	simm.s32 @p2 $0x1082  }
0x22: {  	[simem:s7], [sflag:s8] =	dma.local @!p0 [hbm:s6], $0xF7A  }
0x23: {  	s9 =	sor.u32 $0xD0000000, s2;
	s6 =	simm.s32 $0x108;
	_ =	swait.ge @!p0 [sflag:s8], $0x0  }
0x24: {  	s3 =	sadd.s32 $0x88, s3;
	s6 =	simm.s32 @!p1 $0x1082;
	[sflag:s4] =	ssyncset.s32 $0xFFFFF086  }
0x25: {  	[simem:s6], [sflag:s4] =	dma.local [hbm:s3], $0xF7A  }
0x26: {  	[smem:$0x3F9C] =	sst s1;
	(tag) =	ssettag s2;
	_ =	strace s9  }
0x27: {  	s1 =	sld [smem:$0x3FAC]  }
0x28: {  	s2 =	sld [smem:$0x3FAD]  }
0x29: {  	s4 =	sld [smem:$0x3FAF]  }
0x2a: {  	p0 =	seq.s32 s5, $0x0;
	s5 =	sld [smem:$0x3FB0]  }
0x2b: {  	s6 =	sld [smem:$0x3FB1]  }
0x2c: {  	s7 =	sld [smem:$0x3FB2]  }
0x2d: {  	s3 =	simm.s32 $0x108;
	s8 =	sld [smem:$0x3FB3]  }
0x2e: {  	s3 =	simm.s32 @!p0 $0x1082;
	s9 =	sld [smem:$0x3FB4]  }
0x2f: {  	lr =	sadd.s32 s0, s3;
	s0 =	sld [smem:$0x3FAB]  }
0x30: {  	s3 =	sld [smem:$0x3FAE]  }
0x31: {  	[smem:$0x3FB7] =	sst s10  }
0x32: {  	s10 =	sld [smem:$0x3FB5];
	_ =	sdelay $0x3  }
0x33: {  	p0 =	seq.s32 s10, $0x1;
	s10 =	sld [smem:$0x3FB7];
	_ =	sdelay $0x3  }
0x34: {  	[smem:$0x3FB7] =	sst s10  }
0x35: {  	s10 =	sld [smem:$0x3FB6];
	_ =	sdelay $0x3  }
0x36: {  	p1 =	seq.s32 s10, $0x1;
	s10 =	sld [smem:$0x3FB7];
	_ =	sdelay $0x3  }
0x37: {  	[smem:$0x3FB7] =	sst s10  }
0x38: {  	s10 =	sld [smem:$0x3FB8]  }
0x39: {  	_ = 	snop;
	(pc) =	sbr.ind lr, $3  }
0x3a: {  	_ = 	snop  }
0x3b: {  	_ = 	snop  }
0x3c: {  	p2 =	seq.s32 s10, $0x1;
	s10 =	sld [smem:$0x3FB7]  }
0x3d: {  	_ =	shalt  }
0x3e: {  	_ =	shalt  }
0x3f: {  	_ =	shalt  }
0x40: {  	_ =	shalt  }
0x41: {  	_ =	shalt  }
0x42: {  	_ =	shalt  }
0x43: {  	_ =	shalt  }
0x44: {  	_ =	shalt  }
0x45: {  	_ =	shalt  }
0x46: {  	_ =	shalt  }
0x47: {  	_ =	shalt  }
0x48: {  	_ =	shalt  }
0x49: {  	_ =	shalt  }
0x4a: {  	_ =	shalt  }
0x4b: {  	_ =	shalt  }
0x4c: {  	_ =	shalt  }
0x4d: {  	_ =	shalt  }
0x4e: {  	_ =	shalt  }
0x4f: {  	_ =	shalt  }
0x50: {  	_ =	shalt  }
0x51: {  	_ =	shalt  }
0x52: {  	_ =	shalt  }
0x53: {  	_ =	shalt  }
0x54: {  	_ =	shalt  }
0x55: {  	_ =	shalt  }
0x56: {  	_ =	shalt  }
0x57: {  	_ =	shalt  }
0x58: {  	_ =	shalt  }
0x59: {  	_ =	shalt  }
0x5a: {  	_ =	shalt  }
0x5b: {  	_ =	shalt  }
0x5c: {  	_ =	shalt  }
0x5d: {  	_ =	shalt  }
0x5e: {  	_ =	shalt  }
0x5f: {  	_ =	shalt  }
0x60: {  	_ =	shalt  }
0x61: {  	_ =	shalt  }
0x62: {  	_ =	shalt  }
0x63: {  	_ =	shalt  }
0x64: {  	_ =	shalt  }
0x65: {  	_ =	shalt  }
0x66: {  	_ =	shalt  }
0x67: {  	_ =	shalt  }
0x68: {  	_ =	shalt  }
0x69: {  	_ =	shalt  }
0x6a: {  	_ =	shalt  }
0x6b: {  	_ =	shalt  }
0x6c: {  	_ =	shalt  }
0x6d: {  	_ =	shalt  }
0x6e: {  	_ =	shalt  }
0x6f: {  	_ =	shalt  }
0x70: {  	_ =	shalt  }
0x71: {  	_ =	shalt  }
0x72: {  	_ =	shalt  }
0x73: {  	_ =	shalt  }
0x74: {  	_ =	shalt  }
0x75: {  	_ =	shalt  }
0x76: {  	_ =	shalt  }
0x77: {  	_ =	shalt  }
0x78: {  	_ =	shalt  }
0x79: {  	_ =	shalt  }
0x7a: {  	_ =	shalt  }
0x7b: {  	_ =	shalt  }
0x7c: {  	_ =	shalt  }
0x7d: {  	_ =	shalt  }
0x7e: {  	_ =	shalt  }
0x7f: {  	_ =	shalt  }
0x80: {  	_ =	shalt  }
0x81: {  	_ =	shalt  }
0x82: {  	_ =	shalt  }
0x83: {  	_ =	shalt  }
0x84: {  	_ =	shalt  }
0x85: {  	_ =	shalt  }
0x86: {  	_ =	shalt  }
0x87: {  	_ =	shalt  }
.Lfunc_end0:
.L_simem_size_0:
called_computation.1_lowered:
.L_overlay_start_0:
0x88: {  	s2 =	sld [smem:$0x3FD9]  }
0x89: {  	s3 =	sld [smem:$0x3FFE];
	_ =	sdelay $0x1  }
0x8a: {  	s1 =	srdreg.scid  }
0x8b: {  	s0 =	sand.u32 $0x1, s1  }
0x8c: {  	s14 =	sshll.u32 s0, $0xA;
	s2 =	sadd.s32 s3, s2  }
0x8d: {  	s2 =	sadd.s32 s2, s14  }
0x8e: {  	[smem:$0x3FC3] =	sst s2  }
0x8f: {  	_ = 	snop  }
0x90: {  	s2 =	sld [smem:$0x3FD0];
	_ =	sdelay $0x2  }
0x91: {  	s15 =	simm.s32 $0xA;
	s4 =	simm.s32 $0x10  }
0x92: {  	[smem:s4], [sflag:s15] =	dma.local [hbm:s2], $0x1  }
0x93: {  	_ =	swait.eq [sflag:s15], $0x1  }
0x94: {  	[sflag:s15] =	ssyncset.done $0x0  }
0x95: {  	[sflag:s15] =	ssyncadd.s32 $0xFFFFFFFF  }
0x96: {  	s16 =	sld [smem:$0x10];
	(tm) =	ssettm $0x1  }
0x97: {  	s17 =	sld [smem:$0x3FFB];
	_ =	sdelay $0x3  }
0x98: {  	_ =	strace s17  }
0x99: {  	s3 =	sld [smem:$0x3FFC];
	_ =	sdelay $0x3  }
0x9a: {  	_ =	strace s3  }
0x9b: {  	s3 =	sld [smem:$0x3FFD];
	_ =	sdelay $0x3  }
0x9c: {  	_ =	strace s3  }
0x9d: {  	_ =	strace $0x8FFFFFFF  }
0x9e: {  	s18 =	sld [smem:$0x3FDB];
	_ =	sdelay $0x1  }
0x9f: {  	s19 =	simm.s32 $_scs_section_size  }
0xa0: {  	s5 =	simm.s32 $_size__tile_overlayer_lowered;
	s6 =	simm.s32 $_tile_overlayer_lowered  }
0xa1: {  	s22 =	simm.s32 $0x1BFF;
	s21 =	sshll.u32 s6, $0x1;
	s3 =	sadd.s32 s19, s18  }
0xa2: {  	s7 =	simm.s32 $0x0;
	s20 =	sshll.u32 s5, $0x1;
	s5 =	sadd.s32 s21, s3  }
0xa3: {  	[timem:s7], [sflag:s22] =	dma.local [hbm:s5], s20  }
0xa4: {  	_ =	swait.ge [sflag:s22], s20  }
0xa5: {  	s4 =	ssub.s32 $0x0, s20;
	[sflag:s22] =	ssyncset.done $0x0  }
0xa6: {  	[sflag:s22] =	ssyncadd.s32 s4;
	_ =	sdelay $0x1  }
0xa7: {  	s23 =	simm.s32 $0x1B8B  }
0xa8: {  	_ =	swait.ge [sflag:s23], $0x1  }
0xa9: {  	[sflag:s23] =	ssyncset.done $0x0  }
0xaa: {  	s25 =	simm.s32 $0x1B8E;
	s24 =	sld [smem:$0x3FFE];
	[sflag:s23] =	ssyncadd.s32 $0xFFFFFFFF  }
0xab: {  	s26 =	simm.s32 $execute0_lowered;
	[smem:$0x3FD2] =	sst s25  }
0xac: {  	s5 =	sshll.u32 s26, $0x1;
	_ =	strace $0x80000049;
	[dreg:$0x1] =	wrdreg $0xFFFFFFFF  }
0xad: {  	s28 =	simm.s32 $_size_execute0_lowered;
	s3 =	sadd.s32 s3, s5;
	[dreg:$0x0] =	wrdreg $0x0  }
0xae: {  	s5 =	sshll.u32 s28, $0x1;
	[dreg:$0x2] =	wrdreg s3  }
0xaf: {  	[dreg:$0x3] =	wrdreg s5  }
0xb0: {  	[dreg:$0x4] =	wrdreg $0xC0  }
0xb1: {  	_ =	task [dreg:s7], $0x5FFFF  }
0xb2: {  	[dreg:$0x1] =	wrdreg $0xFFFFFFFF  }
0xb3: {  	[dreg:$0x0] =	wrdreg $0x60  }
0xb4: {  	[dreg:$0x2] =	wrdreg s24  }
0xb5: {  	[dreg:$0x3] =	wrdreg s16  }
0xb6: {  	[dreg:$0x4] =	wrdreg $0x9  }
0xb7: {  	_ =	task.clear_ibuf [dreg:s7], $0x5FFFF;
	_ =	strace $0x90000049  }
0xb8: {  	s29 =	simm.s32 $0x9;
	_ =	strace $0x8000004B  }
0xb9: {  	_ =	swait.ge [sflag:s29], $0x1  }
0xba: {  	[sflag:s29] =	ssyncadd.s32 $0xFFFFFFFF  }
0xbb: {  	_ =	strace $0x9000004B  }
0xbc: {  	_ =	sfence  }
0xbd: {  	s30 =	sld [smem:$0x0];
	_ =	sdelay $0x2  }
0xbe: {  	s31 =	sshll.u32 s1, $0xD;
	s1 =	sshrl.u32 s1, $0x2  }
0xbf: {  	s3 =	sand.u32 $0x4000, s31;
	s1 =	sadd.s32 s1, s30  }
0xc0: {  	s0 =	sor.u32 s3, s0;
	s1 =	sshll.u32 s1, $0x11  }
0xc1: {  	s0 =	sor.u32 s1, s0  }
0xc2: {  	s0 =	sadd.s32 $0x8F2B, s0  }
0xc3: {  	[sflag:s0] =	ssyncadd.remote.s32 $0x1  }
0xc4: {  	_ =	sfence.sel $0xFFFF  }
0xc5: {  	[dreg:$0x0] =	wrdreg $0xFFFFFFFF;
	(pc) =	sbr.abs _section_cstart, $3  }
0xc6: {  	[dreg:$0x1] =	wrdreg $0xFFFFFFFF  }
0xc7: {  	_ =	task.clear_ibuf [dreg:s7], $0x2FFFF;
	_ =	strace $0x9FFFFFFF  }
0xc8: {  	(tm) =	ssettm $0x7FFFFFFF  }
0xc9: {  	_ =	shalt  }
tec
execute0_lowered:
.L_overlay_start_1:
0x0: {  	(tag) =	ssettag $0x1  }
0x1: {  	s0 =	srdreg.scid  }
0x2: {  	s1 =	rddreg [dreg:$0x0];
	s2 =	stileid.u32  }
0x3: {  	s5 =	rddreg [dreg:$0x1];
	s17 =	simm.s32 $0x1;
	s19 =	simm.s32 $0x10000  }
0x4: {  	s20 =	simm.s32 $0x800;
	s21 =	simm.s32 $0x1000;
	s22 =	simm.s32 $0x1800  }
0x5: {  	s23 =	simm.s32 $0x2000;
	s24 =	simm.s32 $0x2800;
	s25 =	simm.s32 $0x3000  }
0x6: {  	s28 =	simm.s32 $0x4000;
	s29 =	simm.s32 $0x4800;
	s30 =	simm.s32 $0x5000  }
0x7: {  	s31 =	simm.s32 $0x5800;
	s12 =	simm.s32 $0x8800;
	s13 =	simm.s32 $0x9000  }
0x8: {  	s14 =	simm.s32 $0x9800;
	s15 =	simm.s32 $0xA000;
	s16 =	simm.s32 $0xA800  }
0x9: {  	s0 =	sand.u32 $0x1, s0;
	s3 =	sshll.u32 s2, $0x7;
	s2 =	simm.s32 $0x0  }
0xa: {  	s9 =	sadd.s32 $0x1E00, s1;
	s4 =	sshll.u32 s0, $0x6;
	[smem:$0x7FF] =	sst s2  }
0xb: {  	s0 =	ssub.s32 $0x2, s0;
	s6 =	sor.u32 s4, s3;
	_ =	strace $0x8000004A  }
0xc: {  	s3 =	sadd.s32 $0xC2400, s1;
	s11 =	sshrl.u32 s0, $0x1;
	s7 =	sshll.u32 s6, $0x1  }
0xd: {  	s6 =	sshll.u32 s6, $0x7;
	s0 =	ssub.s32 s0, s11;
	s11 =	simm.s32 $0x8000  }
0xe: {  	s8 =	sand.u32 $0xF00, s7;
	s10 =	sadd.s32 s6, s1;
	s6 =	sadd.s32 s5, s6  }
0xf: {  	s5 =	sadd.s32 $0xC2600, s1;
	s8 =	sor.u32 s4, s8;
	s4 =	sor.u32 s4, s7  }
0x10: {  	[dreg:$0x4] =	wrdreg s6;
	s6 =	sadd.s32 $0xC2700, s1;
	s26 =	sadd.s32 $0x2200, s10  }
0x11: {  	s10 =	simm.s32 $0x7800;
	s8 =	sshrl.u32 s8, $0x3;
	s7 =	sshrl.u32 s4, $0x3  }
0x12: {  	s4 =	sadd.s32 $0xC2500, s1;
	[dreg:$0x6] =	wrdreg s26;
	s26 =	simm.s32 $0x3800  }
0x13: {  	v2 =	vlaneseq.u32;
	s1 =	simm.s32 $0x6000;
	s8 =	sadd.s32 s9, s8;
	s7 =	sor.u32 $0x10, s7  }
0x14: {  	vm0 =	vmmov $0xffff;
	v1 =	vshrl.u32 v2, $0x3;
	[dreg:$0x3] =	wrdreg s8;
	s7 =	sadd.s32 s9, s7;
	s9 =	simm.s32 $0x2  }
0x15: {  	v0 =	vand.u32 $0x7, v2;
	v2 =	vor.u32 $0x8, v2;
	v1 =	vmul.u32 $0x8, v1;
	s8 =	simm.s32 $0x7000;
	[dreg:$0x5] =	wrdreg s7;
	s7 =	smax.u32 s0, $0x1  }
.LBB2_1:
0x16: {  	s18 =	rddreg [dreg:$0x3]  }
0x17: {  	[tilespmem:s19], [sflag:$0x2] =	stream.linear.gather [hbm4b:s18+s2], $0x40, $0x38;
	[tilespmem:$0x10080] =	vst v63  }
0x18: {  	_ =	swait.ge [sflag:s9], $0x40  }
0x19: {  	[sflag:s9] =	ssyncset.done $0x0  }
0x1a: {  	[sflag:s9] =	ssyncadd.s32 $0xFFFFFFC0  }
0x1b: {  	v3 =	vld [tilespmem:$0x10000];
	_ =	sdelay $0x4  }
0x1c: {  	v4 =	vshll.u32 v3, $0x3  }
0x1d: {  	v3 =	vand.u32 $0x7, v3;
	v4 =	vand.u32 $0xFFFFFFC0, v4  }
0x1e: {  	v3 =	vor.u32 v3, v4  }
0x1f: {  	v4 =	vperm.xlane v3, v0;
	_ =	sdelay $0x1  }
0x20: {  	v4 =	vadd.s32 v1, v4;
	_ =	sdelay $0x4  }
0x21: {  	[tilespmem:s2], [sflag:$0x1] =	stream.indirect_vreg.gather [hbm4b:s3+s2], $0x80, v4, vm0, $0xb8;
	[tilespmem:$0x10080] =	vst v63  }
0x22: {  	v3 =	vperm.xlane v3, v2  }
0x23: {  	[tilespmem:s20], [sflag:$0x1] =	stream.indirect_vreg.gather [hbm4b:s4+s2], $0x80, v4, vm0, $0xb8;
	[tilespmem:$0x10080] =	vst v63  }
0x24: {  	v3 =	vadd.s32 v1, v3  }
0x25: {  	[tilespmem:s21], [sflag:$0x1] =	stream.indirect_vreg.gather [hbm4b:s5+s2], $0x80, v4, vm0, $0xb8;
	[tilespmem:$0x10080] =	vst v63  }
0x26: {  	_ = 	snop  }
0x27: {  	[tilespmem:s22], [sflag:$0x1] =	stream.indirect_vreg.gather [hbm4b:s6+s2], $0x80, v4, vm0, $0xb8;
	[tilespmem:$0x10080] =	vst v63  }
0x28: {  	_ = 	snop  }
0x29: {  	[tilespmem:s23], [sflag:$0x1] =	stream.indirect_vreg.gather [hbm4b:s3+s2], $0x80, v3, vm0, $0xb8;
	[tilespmem:$0x10080] =	vst v63  }
0x2a: {  	_ = 	snop  }
0x2b: {  	[tilespmem:s24], [sflag:$0x1] =	stream.indirect_vreg.gather [hbm4b:s4+s2], $0x80, v3, vm0, $0xb8;
	[tilespmem:$0x10080] =	vst v63  }
0x2c: {  	_ = 	snop  }
0x2d: {  	[tilespmem:s25], [sflag:$0x1] =	stream.indirect_vreg.gather [hbm4b:s5+s2], $0x80, v3, vm0, $0xb8;
	[tilespmem:$0x10080] =	vst v63  }
0x2e: {  	_ = 	snop  }
0x2f: {  	[tilespmem:s26], [sflag:$0x1] =	stream.indirect_vreg.gather [hbm4b:s6+s2], $0x80, v3, vm0, $0xb8;
	[tilespmem:$0x10080] =	vst v63  }
0x30: {  	v3 =	vld [tilespmem:$0x10010];
	_ =	sdelay $0x4  }
0x31: {  	v57 =	vshll.u32 v3, $0x3  }
0x32: {  	v3 =	vand.u32 $0x7, v3;
	v4 =	vand.u32 $0xFFFFFFC0, v57  }
0x33: {  	v3 =	vor.u32 v3, v4  }
0x34: {  	v4 =	vperm.xlane v3, v0;
	_ =	sdelay $0x1  }
0x35: {  	v4 =	vadd.s32 v1, v4;
	_ =	sdelay $0x4  }
0x36: {  	[tilespmem:s28], [sflag:$0x1] =	stream.indirect_vreg.gather [hbm4b:s3+s2], $0x80, v4, vm0, $0xb8;
	[tilespmem:$0x10080] =	vst v63  }
0x37: {  	v3 =	vperm.xlane v3, v2  }
0x38: {  	[tilespmem:s29], [sflag:$0x1] =	stream.indirect_vreg.gather [hbm4b:s4+s2], $0x80, v4, vm0, $0xb8;
	[tilespmem:$0x10080] =	vst v63  }
0x39: {  	v3 =	vadd.s32 v1, v3  }
0x3a: {  	[tilespmem:s30], [sflag:$0x1] =	stream.indirect_vreg.gather [hbm4b:s5+s2], $0x80, v4, vm0, $0xb8;
	[tilespmem:$0x10080] =	vst v63  }
0x3b: {  	_ = 	snop  }
0x3c: {  	[tilespmem:s31], [sflag:$0x1] =	stream.indirect_vreg.gather [hbm4b:s6+s2], $0x80, v4, vm0, $0xb8;
	[tilespmem:$0x10080] =	vst v63  }
0x3d: {  	_ = 	snop  }
0x3e: {  	[tilespmem:s1], [sflag:$0x1] =	stream.indirect_vreg.gather [hbm4b:s3+s2], $0x80, v3, vm0, $0xb8;
	[tilespmem:$0x10080] =	vst v63  }
0x3f: {  	s0 =	simm.s32 $0x6800  }
0x40: {  	[tilespmem:s0], [sflag:$0x1] =	stream.indirect_vreg.gather [hbm4b:s4+s2], $0x80, v3, vm0, $0xb8;
	[tilespmem:$0x10080] =	vst v63  }
0x41: {  	_ = 	snop  }
0x42: {  	[tilespmem:s8], [sflag:$0x1] =	stream.indirect_vreg.gather [hbm4b:s5+s2], $0x80, v3, vm0, $0xb8;
	[tilespmem:$0x10080] =	vst v63  }
0x43: {  	_ = 	snop  }
0x44: {  	[tilespmem:s10], [sflag:$0x1] =	stream.indirect_vreg.gather [hbm4b:s6+s2], $0x80, v3, vm0, $0xb8;
	[tilespmem:$0x10080] =	vst v63  }
0x45: {  	v3 =	vld [tilespmem:$0x10020];
	_ =	sdelay $0x4  }
0x46: {  	v58 =	vshll.u32 v3, $0x3  }
0x47: {  	v3 =	vand.u32 $0x7, v3;
	v4 =	vand.u32 $0xFFFFFFC0, v58  }
0x48: {  	v3 =	vor.u32 v3, v4  }
0x49: {  	v4 =	vperm.xlane v3, v0;
	_ =	sdelay $0x1  }
0x4a: {  	v4 =	vadd.s32 v1, v4;
	_ =	sdelay $0x4  }
0x4b: {  	[tilespmem:s11], [sflag:$0x1] =	stream.indirect_vreg.gather [hbm4b:s3+s2], $0x80, v4, vm0, $0xb8;
	[tilespmem:$0x10080] =	vst v63  }
0x4c: {  	v3 =	vperm.xlane v3, v2  }
0x4d: {  	[tilespmem:s12], [sflag:$0x1] =	stream.indirect_vreg.gather [hbm4b:s4+s2], $0x80, v4, vm0, $0xb8;
	[tilespmem:$0x10080] =	vst v63  }
0x4e: {  	v3 =	vadd.s32 v1, v3  }
0x4f: {  	[tilespmem:s13], [sflag:$0x1] =	stream.indirect_vreg.gather [hbm4b:s5+s2], $0x80, v4, vm0, $0xb8;
	[tilespmem:$0x10080] =	vst v63  }
0x50: {  	_ = 	snop  }
0x51: {  	[tilespmem:s14], [sflag:$0x1] =	stream.indirect_vreg.gather [hbm4b:s6+s2], $0x80, v4, vm0, $0xb8;
	[tilespmem:$0x10080] =	vst v63  }
0x52: {  	_ = 	snop  }
0x53: {  	[tilespmem:s15], [sflag:$0x1] =	stream.indirect_vreg.gather [hbm4b:s3+s2], $0x80, v3, vm0, $0xb8;
	[tilespmem:$0x10080] =	vst v63  }
0x54: {  	_ = 	snop  }
0x55: {  	[tilespmem:s16], [sflag:$0x1] =	stream.indirect_vreg.gather [hbm4b:s4+s2], $0x80, v3, vm0, $0xb8;
	[tilespmem:$0x10080] =	vst v63  }
0x56: {  	s18 =	simm.s32 $0xB000  }
0x57: {  	[tilespmem:s18], [sflag:$0x1] =	stream.indirect_vreg.gather [hbm4b:s5+s2], $0x80, v3, vm0, $0xb8;
	[tilespmem:$0x10080] =	vst v63  }
0x58: {  	s18 =	simm.s32 $0xB800  }
0x59: {  	[tilespmem:s18], [sflag:$0x1] =	stream.indirect_vreg.gather [hbm4b:s6+s2], $0x80, v3, vm0, $0xb8;
	[tilespmem:$0x10080] =	vst v63  }
0x5a: {  	v3 =	vld [tilespmem:$0x10030];
	_ =	sdelay $0x4  }
0x5b: {  	v59 =	vshll.u32 v3, $0x3  }
0x5c: {  	v3 =	vand.u32 $0x7, v3;
	v4 =	vand.u32 $0xFFFFFFC0, v59  }
0x5d: {  	v3 =	vor.u32 v3, v4  }
0x5e: {  	v4 =	vperm.xlane v3, v0;
	_ =	sdelay $0x1  }
0x5f: {  	v4 =	vadd.s32 v1, v4;
	_ =	sdelay $0x3  }
0x60: {  	s18 =	simm.s32 $0xC000  }
0x61: {  	[tilespmem:s18], [sflag:$0x1] =	stream.indirect_vreg.gather [hbm4b:s3+s2], $0x80, v4, vm0, $0xb8;
	[tilespmem:$0x10080] =	vst v63  }
0x62: {  	v3 =	vperm.xlane v3, v2;
	s18 =	simm.s32 $0xC800  }
0x63: {  	[tilespmem:s18], [sflag:$0x1] =	stream.indirect_vreg.gather [hbm4b:s4+s2], $0x80, v4, vm0, $0xb8;
	[tilespmem:$0x10080] =	vst v63  }
0x64: {  	v3 =	vadd.s32 v1, v3;
	s18 =	simm.s32 $0xD000  }
0x65: {  	[tilespmem:s18], [sflag:$0x1] =	stream.indirect_vreg.gather [hbm4b:s5+s2], $0x80, v4, vm0, $0xb8;
	[tilespmem:$0x10080] =	vst v63  }
0x66: {  	s18 =	simm.s32 $0xD800  }
0x67: {  	[tilespmem:s18], [sflag:$0x1] =	stream.indirect_vreg.gather [hbm4b:s6+s2], $0x80, v4, vm0, $0xb8;
	[tilespmem:$0x10080] =	vst v63  }
0x68: {  	s18 =	simm.s32 $0xE000  }
0x69: {  	[tilespmem:s18], [sflag:$0x1] =	stream.indirect_vreg.gather [hbm4b:s3+s2], $0x80, v3, vm0, $0xb8;
	[tilespmem:$0x10080] =	vst v63  }
0x6a: {  	s18 =	simm.s32 $0xE800  }
0x6b: {  	[tilespmem:s18], [sflag:$0x1] =	stream.indirect_vreg.gather [hbm4b:s4+s2], $0x80, v3, vm0, $0xb8;
	[tilespmem:$0x10080] =	vst v63  }
0x6c: {  	s18 =	simm.s32 $0xF000  }
0x6d: {  	[tilespmem:s18], [sflag:$0x1] =	stream.indirect_vreg.gather [hbm4b:s5+s2], $0x80, v3, vm0, $0xb8;
	[tilespmem:$0x10080] =	vst v63  }
0x6e: {  	s18 =	simm.s32 $0xF800  }
0x6f: {  	[tilespmem:s18], [sflag:$0x1] =	stream.indirect_vreg.gather [hbm4b:s6+s2], $0x80, v3, vm0, $0xb8;
	[tilespmem:$0x10080] =	vst v63  }
0x70: {  	_ =	swait.ge [sflag:s17], $0x10000  }
0x71: {  	[sflag:s17] =	ssyncset.done $0x0  }
0x72: {  	s18 =	rddreg [dreg:$0x4];
	[sflag:s17] =	ssyncadd.s32 $0xFFFF0000  }
0x73: {  	[hbm4b:s18+s2] =	stream.linear.scatter [tilespmem:s2], [sflag:$0x2], $0x10000, $0x38;
	[tilespmem:$0x10080] =	vst v63  }
0x74: {  	_ =	swait.ge [sflag:s9], $0x10000  }
0x75: {  	[sflag:s9] =	ssyncset.done $0x0  }
0x76: {  	s18 =	rddreg [dreg:$0x5];
	[sflag:s9] =	ssyncadd.s32 $0xFFFF0000  }
0x77: {  	[tilespmem:s19], [sflag:$0x2] =	stream.linear.gather [hbm4b:s18+s2], $0x40, $0x38;
	[tilespmem:$0x10080] =	vst v63  }
0x78: {  	_ =	swait.ge [sflag:s9], $0x40  }
0x79: {  	[sflag:s9] =	ssyncset.done $0x0  }
0x7a: {  	[sflag:s9] =	ssyncadd.s32 $0xFFFFFFC0  }
0x7b: {  	v3 =	vld [tilespmem:$0x10000];
	_ =	sdelay $0x4  }
0x7c: {  	v60 =	vshll.u32 v3, $0x3  }
0x7d: {  	v3 =	vand.u32 $0x7, v3;
	v4 =	vand.u32 $0xFFFFFFC0, v60  }
0x7e: {  	v3 =	vor.u32 v3, v4  }
0x7f: {  	v4 =	vperm.xlane v3, v0;
	_ =	sdelay $0x1  }
0x80: {  	v4 =	vadd.s32 v1, v4;
	_ =	sdelay $0x4  }
0x81: {  	[tilespmem:s2], [sflag:$0x1] =	stream.indirect_vreg.gather [hbm4b:s3+s2], $0x80, v4, vm0, $0xb8;
	[tilespmem:$0x10080] =	vst v63  }
0x82: {  	v3 =	vperm.xlane v3, v2  }
0x83: {  	[tilespmem:s20], [sflag:$0x1] =	stream.indirect_vreg.gather [hbm4b:s4+s2], $0x80, v4, vm0, $0xb8;
	[tilespmem:$0x10080] =	vst v63  }
0x84: {  	v3 =	vadd.s32 v1, v3  }
0x85: {  	[tilespmem:s21], [sflag:$0x1] =	stream.indirect_vreg.gather [hbm4b:s5+s2], $0x80, v4, vm0, $0xb8;
	[tilespmem:$0x10080] =	vst v63  }
0x86: {  	_ = 	snop  }
0x87: {  	[tilespmem:s22], [sflag:$0x1] =	stream.indirect_vreg.gather [hbm4b:s6+s2], $0x80, v4, vm0, $0xb8;
	[tilespmem:$0x10080] =	vst v63  }
0x88: {  	_ = 	snop  }
0x89: {  	[tilespmem:s23], [sflag:$0x1] =	stream.indirect_vreg.gather [hbm4b:s3+s2], $0x80, v3, vm0, $0xb8;
	[tilespmem:$0x10080] =	vst v63  }
0x8a: {  	_ = 	snop  }
0x8b: {  	[tilespmem:s24], [sflag:$0x1] =	stream.indirect_vreg.gather [hbm4b:s4+s2], $0x80, v3, vm0, $0xb8;
	[tilespmem:$0x10080] =	vst v63  }
0x8c: {  	_ = 	snop  }
0x8d: {  	[tilespmem:s25], [sflag:$0x1] =	stream.indirect_vreg.gather [hbm4b:s5+s2], $0x80, v3, vm0, $0xb8;
	[tilespmem:$0x10080] =	vst v63  }
0x8e: {  	_ = 	snop  }
0x8f: {  	[tilespmem:s26], [sflag:$0x1] =	stream.indirect_vreg.gather [hbm4b:s6+s2], $0x80, v3, vm0, $0xb8;
	[tilespmem:$0x10080] =	vst v63  }
0x90: {  	v3 =	vld [tilespmem:$0x10010];
	_ =	sdelay $0x4  }
0x91: {  	v61 =	vshll.u32 v3, $0x3  }
0x92: {  	v3 =	vand.u32 $0x7, v3;
	v4 =	vand.u32 $0xFFFFFFC0, v61  }
0x93: {  	v3 =	vor.u32 v3, v4  }
0x94: {  	v4 =	vperm.xlane v3, v0;
	_ =	sdelay $0x1  }
0x95: {  	v4 =	vadd.s32 v1, v4;
	_ =	sdelay $0x4  }
0x96: {  	[tilespmem:s28], [sflag:$0x1] =	stream.indirect_vreg.gather [hbm4b:s3+s2], $0x80, v4, vm0, $0xb8;
	[tilespmem:$0x10080] =	vst v63  }
0x97: {  	v3 =	vperm.xlane v3, v2  }
0x98: {  	[tilespmem:s29], [sflag:$0x1] =	stream.indirect_vreg.gather [hbm4b:s4+s2], $0x80, v4, vm0, $0xb8;
	[tilespmem:$0x10080] =	vst v63  }
0x99: {  	v3 =	vadd.s32 v1, v3  }
0x9a: {  	[tilespmem:s30], [sflag:$0x1] =	stream.indirect_vreg.gather [hbm4b:s5+s2], $0x80, v4, vm0, $0xb8;
	[tilespmem:$0x10080] =	vst v63  }
0x9b: {  	_ = 	snop  }
0x9c: {  	[tilespmem:s31], [sflag:$0x1] =	stream.indirect_vreg.gather [hbm4b:s6+s2], $0x80, v4, vm0, $0xb8;
	[tilespmem:$0x10080] =	vst v63  }
0x9d: {  	_ = 	snop  }
0x9e: {  	[tilespmem:s1], [sflag:$0x1] =	stream.indirect_vreg.gather [hbm4b:s3+s2], $0x80, v3, vm0, $0xb8;
	[tilespmem:$0x10080] =	vst v63  }
0x9f: {  	_ = 	snop  }
0xa0: {  	[tilespmem:s0], [sflag:$0x1] =	stream.indirect_vreg.gather [hbm4b:s4+s2], $0x80, v3, vm0, $0xb8;
	[tilespmem:$0x10080] =	vst v63  }
0xa1: {  	_ = 	snop  }
0xa2: {  	[tilespmem:s8], [sflag:$0x1] =	stream.indirect_vreg.gather [hbm4b:s5+s2], $0x80, v3, vm0, $0xb8;
	[tilespmem:$0x10080] =	vst v63  }
0xa3: {  	_ = 	snop  }
0xa4: {  	[tilespmem:s10], [sflag:$0x1] =	stream.indirect_vreg.gather [hbm4b:s6+s2], $0x80, v3, vm0, $0xb8;
	[tilespmem:$0x10080] =	vst v63  }
0xa5: {  	v3 =	vld [tilespmem:$0x10020];
	_ =	sdelay $0x4  }
0xa6: {  	v62 =	vshll.u32 v3, $0x3  }
0xa7: {  	v3 =	vand.u32 $0x7, v3;
	v4 =	vand.u32 $0xFFFFFFC0, v62  }
0xa8: {  	v3 =	vor.u32 v3, v4  }
0xa9: {  	v4 =	vperm.xlane v3, v0;
	_ =	sdelay $0x1  }
0xaa: {  	v4 =	vadd.s32 v1, v4;
	_ =	sdelay $0x4  }
0xab: {  	[tilespmem:s11], [sflag:$0x1] =	stream.indirect_vreg.gather [hbm4b:s3+s2], $0x80, v4, vm0, $0xb8;
	[tilespmem:$0x10080] =	vst v63  }
0xac: {  	v3 =	vperm.xlane v3, v2  }
0xad: {  	[tilespmem:s12], [sflag:$0x1] =	stream.indirect_vreg.gather [hbm4b:s4+s2], $0x80, v4, vm0, $0xb8;
	[tilespmem:$0x10080] =	vst v63  }
0xae: {  	v3 =	vadd.s32 v1, v3  }
0xaf: {  	[tilespmem:s13], [sflag:$0x1] =	stream.indirect_vreg.gather [hbm4b:s5+s2], $0x80, v4, vm0, $0xb8;
	[tilespmem:$0x10080] =	vst v63  }
0xb0: {  	_ = 	snop  }
0xb1: {  	[tilespmem:s14], [sflag:$0x1] =	stream.indirect_vreg.gather [hbm4b:s6+s2], $0x80, v4, vm0, $0xb8;
	[tilespmem:$0x10080] =	vst v63  }
0xb2: {  	_ = 	snop  }
0xb3: {  	[tilespmem:s15], [sflag:$0x1] =	stream.indirect_vreg.gather [hbm4b:s3+s2], $0x80, v3, vm0, $0xb8;
	[tilespmem:$0x10080] =	vst v63  }
0xb4: {  	_ = 	snop  }
0xb5: {  	[tilespmem:s16], [sflag:$0x1] =	stream.indirect_vreg.gather [hbm4b:s4+s2], $0x80, v3, vm0, $0xb8;
	[tilespmem:$0x10080] =	vst v63  }
0xb6: {  	s18 =	simm.s32 $0xB000  }
0xb7: {  	[tilespmem:s18], [sflag:$0x1] =	stream.indirect_vreg.gather [hbm4b:s5+s2], $0x80, v3, vm0, $0xb8;
	[tilespmem:$0x10080] =	vst v63  }
0xb8: {  	s18 =	simm.s32 $0xB800  }
0xb9: {  	[tilespmem:s18], [sflag:$0x1] =	stream.indirect_vreg.gather [hbm4b:s6+s2], $0x80, v3, vm0, $0xb8;
	[tilespmem:$0x10080] =	vst v63  }
0xba: {  	v3 =	vld [tilespmem:$0x10030];
	_ =	sdelay $0x4  }
0xbb: {  	v63 =	vshll.u32 v3, $0x3  }
0xbc: {  	v3 =	vand.u32 $0x7, v3;
	v4 =	vand.u32 $0xFFFFFFC0, v63  }
0xbd: {  	v3 =	vor.u32 v3, v4  }
0xbe: {  	v4 =	vperm.xlane v3, v0;
	_ =	sdelay $0x1  }
0xbf: {  	v4 =	vadd.s32 v1, v4;
	_ =	sdelay $0x3  }
0xc0: {  	s18 =	simm.s32 $0xC000  }
0xc1: {  	[tilespmem:s18], [sflag:$0x1] =	stream.indirect_vreg.gather [hbm4b:s3+s2], $0x80, v4, vm0, $0xb8;
	[tilespmem:$0x10080] =	vst v63  }
0xc2: {  	v3 =	vperm.xlane v3, v2;
	s18 =	simm.s32 $0xC800  }
0xc3: {  	[tilespmem:s18], [sflag:$0x1] =	stream.indirect_vreg.gather [hbm4b:s4+s2], $0x80, v4, vm0, $0xb8;
	[tilespmem:$0x10080] =	vst v63  }
0xc4: {  	v3 =	vadd.s32 v1, v3;
	s18 =	simm.s32 $0xD000  }
0xc5: {  	[tilespmem:s18], [sflag:$0x1] =	stream.indirect_vreg.gather [hbm4b:s5+s2], $0x80, v4, vm0, $0xb8;
	[tilespmem:$0x10080] =	vst v63  }
0xc6: {  	s18 =	simm.s32 $0xD800  }
0xc7: {  	[tilespmem:s18], [sflag:$0x1] =	stream.indirect_vreg.gather [hbm4b:s6+s2], $0x80, v4, vm0, $0xb8;
	[tilespmem:$0x10080] =	vst v63  }
0xc8: {  	s18 =	simm.s32 $0xE000  }
0xc9: {  	[tilespmem:s18], [sflag:$0x1] =	stream.indirect_vreg.gather [hbm4b:s3+s2], $0x80, v3, vm0, $0xb8;
	[tilespmem:$0x10080] =	vst v63  }
0xca: {  	s18 =	simm.s32 $0xE800  }
0xcb: {  	[tilespmem:s18], [sflag:$0x1] =	stream.indirect_vreg.gather [hbm4b:s4+s2], $0x80, v3, vm0, $0xb8;
	[tilespmem:$0x10080] =	vst v63  }
0xcc: {  	s18 =	simm.s32 $0xF000  }
0xcd: {  	[tilespmem:s18], [sflag:$0x1] =	stream.indirect_vreg.gather [hbm4b:s5+s2], $0x80, v3, vm0, $0xb8;
	[tilespmem:$0x10080] =	vst v63  }
0xce: {  	s18 =	simm.s32 $0xF800  }
0xcf: {  	[tilespmem:s18], [sflag:$0x1] =	stream.indirect_vreg.gather [hbm4b:s6+s2], $0x80, v3, vm0, $0xb8;
	[tilespmem:$0x10080] =	vst v63  }
0xd0: {  	_ =	swait.ge [sflag:s17], $0x10000  }
0xd1: {  	p0 =	sne.s32 s7, $0x1;
	[sflag:s17] =	ssyncset.done $0x0  }
.Ltmp0:
0xd2: {  	s0 =	rddreg [dreg:$0x6];
	[sflag:s17] =	ssyncadd.s32 $0xFFFF0000;
	(pc) =	sbr.rel @p0 .LBB2_1-.Ltmp0, $4  }
0xd3: {  	[hbm4b:s0+s2] =	stream.linear.scatter [tilespmem:s2], [sflag:$0x2], $0x10000, $0x38;
	[tilespmem:$0x10080] =	vst v63  }
0xd4: {  	_ =	swait.ge [sflag:s9], $0x10000  }
0xd5: {  	[sflag:s9] =	ssyncset.done $0x0  }
0xd6: {  	s7 =	sadd.s32 $0xFFFFFFFF, s7;
	[sflag:s9] =	ssyncadd.s32 $0xFFFF0000  }
0xd7: {  	_ =	sfence.sel $0x180000  }
0xd8: {  	[bflag:$0x0] =	sbarrier.arrive $0xFFFF  }
0xd9: {  	_ =	strace $0x9000004A  }
0xda: {  	s0 =	stileid.u32;
	[bflag:$0x2] =	sbarrier.arrive $0xFFFF  }
0xdb: {  	p0 =	sne.s32 s0, $0x0;
	s0 =	rddreg [dreg:$0x2]  }
0xdc: {  	s0 =	sadd.s32 @!p0 $0x100000, s0  }
0xdd: {  	[sflag:s0] =	ssyncadd.tile.s32 @!p0 $0x1;
	_ =	shalt  }
.Lfunc_end2:
_tile_overlayer_lowered:
.L_overlay_start_2:
0xde: {  	(tag) =	ssettag $0x2  }
0xdf: {  	s0 =	rddreg [dreg:$0x0];
	s2 =	stileid.u32  }
0xe0: {  	s1 =	rddreg [dreg:$0x1];
	p0 =	sne.s32 s2, $0x0  }
0xe1: {  	s3 =	rddreg [dreg:$0x2];
	[bflag:$0x3] =	sbarrier.arrive $0xFFFF;
	s2 =	simm.s32 @!p0 $0x1C02  }
0xe2: {  	[timem:s3], [sflag:s2] =	dma.local @!p0 [hbm:s0], s1  }
0xe3: {  	s0 =	simm.s32 @!p0 $0x2  }
0xe4: {  	_ =	swait.ge @!p0 [sflag:s0], s1  }
0xe5: {  	s1 =	ssub.s32 @!p0 $0x0, s1;
	[sflag:s0] =	ssyncset.done @!p0 $0x0  }
0xe6: {  	[sflag:s0] =	ssyncadd.s32 @!p0 s1  }
0xe7: {  	[bflag:$0x3] =	sbarrier.arrive $0xFFFF  }
0xe8: {  	_ =	shalt  }

// kernel: kernel.7.cloned.1.call-start
scs
__scs_entry_jumppad:
0x0: {  	(pc) =	sbr.rel $0x88, $3  }
0x1: {  	(tag) =	ssettag $0x0;
	lr =	simm.s32 $0x1  }
0x2: {  	[smem:$0x3F9C] =	sst lr;
	_ =	strace $0xD0000000  }
0x3: {  	_ = 	snop  }
0x4: {  	_ = 	snop  }
0x5: {  	_ = 	snop  }
0x6: {  	_ = 	snop  }
0x7: {  	_ = 	snop  }
__scs_overlays_trampoline_lowered:
0x8: {  	[smem:$0x3FAB] =	sst s0  }
0x9: {  	[smem:$0x3FAC] =	sst s1  }
0xa: {  	[smem:$0x3FAD] =	sst s2  }
0xb: {  	[smem:$0x3FAE] =	sst s3  }
0xc: {  	[smem:$0x3FAF] =	sst s4  }
0xd: {  	[smem:$0x3FB0] =	sst s5  }
0xe: {  	[smem:$0x3FB1] =	sst s6  }
0xf: {  	[smem:$0x3FB2] =	sst s7  }
0x10: {  	[smem:$0x3FB3] =	sst s8  }
0x11: {  	[smem:$0x3FB4] =	sst s9;
	s0 =	simm.s32 @!p0 $0x0  }
0x12: {  	s1 =	sld [smem:$0x3F9A];
	s0 =	simm.s32 @p0 $0x1  }
0x13: {  	[smem:$0x3FB5] =	sst s0;
	s0 =	simm.s32 @!p1 $0x0  }
0x14: {  	s2 =	sld [smem:$0x3F99];
	s0 =	simm.s32 @p1 $0x1  }
0x15: {  	[smem:$0x3FB6] =	sst s0;
	s0 =	simm.s32 @!p2 $0x0  }
0x16: {  	s3 =	sld [smem:$0x3FDB];
	s0 =	simm.s32 @p2 $0x1  }
0x17: {  	s4 =	simm.s32 $0x1BF5;
	[smem:$0x3FB8] =	sst s0  }
0x18: {  	s0 =	sld [smem:$0x3F9B];
	_ =	swait.ge [sflag:s4], $0x0  }
0x19: {  	s7 =	sld [smem:$0x3F9C]  }
0x1a: {  	s8 =	sadd.s32 $0xFFFFE003, lr  }
0x1b: {  	s9 =	sadd.s32 $0xFFFFFEF7, lr;
	s5 =	simm.s32 $0xFFFFFFFF;
	p2 =	slt.u32 s8, $0xFFFFF086  }
0x1c: {  	p1 =	slt.u32 s9, $0xF7A;
	s5 =	simm.s32 @!p2 $0x0  }
0x1d: {  	s5 =	simm.s32 @p1 $0x1;
	p0 =	seq.s32 s7, s2  }
0x1e: {  	s7 =	smul.u32 @!p0 $0xF7A, s2;
	p2 =	seq.s32 @!p0 s5, $0x0  }
0x1f: {  	s9 =	smul.u32 $0xF7A, s1;
	s8 =	simm.s32 @!p0 $0x1BF5;
	p2 =	por !p2, p0  }
0x20: {  	[sflag:s8] =	ssyncset.s32 @!p0 $0xFFFFF086;
	s6 =	sadd.s32 @!p0 s3, s7;
	s7 =	simm.s32 @!p0 $0x108  }
0x21: {  	s3 =	sadd.s32 s3, s9;
	s6 =	sadd.s32 @!p0 $0x88, s6;
	s7 =	simm.s32 @p2 $0x1082  }
0x22: {  	[simem:s7], [sflag:s8] =	dma.local @!p0 [hbm:s6], $0xF7A  }
0x23: {  	s9 =	sor.u32 $0xD0000000, s2;
	s6 =	simm.s32 $0x108;
	_ =	swait.ge @!p0 [sflag:s8], $0x0  }
0x24: {  	s3 =	sadd.s32 $0x88, s3;
	s6 =	simm.s32 @!p1 $0x1082;
	[sflag:s4] =	ssyncset.s32 $0xFFFFF086  }
0x25: {  	[simem:s6], [sflag:s4] =	dma.local [hbm:s3], $0xF7A  }
0x26: {  	[smem:$0x3F9C] =	sst s1;
	(tag) =	ssettag s2;
	_ =	strace s9  }
0x27: {  	s1 =	sld [smem:$0x3FAC]  }
0x28: {  	s2 =	sld [smem:$0x3FAD]  }
0x29: {  	s4 =	sld [smem:$0x3FAF]  }
0x2a: {  	p0 =	seq.s32 s5, $0x0;
	s5 =	sld [smem:$0x3FB0]  }
0x2b: {  	s6 =	sld [smem:$0x3FB1]  }
0x2c: {  	s7 =	sld [smem:$0x3FB2]  }
0x2d: {  	s3 =	simm.s32 $0x108;
	s8 =	sld [smem:$0x3FB3]  }
0x2e: {  	s3 =	simm.s32 @!p0 $0x1082;
	s9 =	sld [smem:$0x3FB4]  }
0x2f: {  	lr =	sadd.s32 s0, s3;
	s0 =	sld [smem:$0x3FAB]  }
0x30: {  	s3 =	sld [smem:$0x3FAE]  }
0x31: {  	[smem:$0x3FB7] =	sst s10  }
0x32: {  	s10 =	sld [smem:$0x3FB5];
	_ =	sdelay $0x3  }
0x33: {  	p0 =	seq.s32 s10, $0x1;
	s10 =	sld [smem:$0x3FB7];
	_ =	sdelay $0x3  }
0x34: {  	[smem:$0x3FB7] =	sst s10  }
0x35: {  	s10 =	sld [smem:$0x3FB6];
	_ =	sdelay $0x3  }
0x36: {  	p1 =	seq.s32 s10, $0x1;
	s10 =	sld [smem:$0x3FB7];
	_ =	sdelay $0x3  }
0x37: {  	[smem:$0x3FB7] =	sst s10  }
0x38: {  	s10 =	sld [smem:$0x3FB8]  }
0x39: {  	_ = 	snop;
	(pc) =	sbr.ind lr, $3  }
0x3a: {  	_ = 	snop  }
0x3b: {  	_ = 	snop  }
0x3c: {  	p2 =	seq.s32 s10, $0x1;
	s10 =	sld [smem:$0x3FB7]  }
0x3d: {  	_ =	shalt  }
0x3e: {  	_ =	shalt  }
0x3f: {  	_ =	shalt  }
0x40: {  	_ =	shalt  }
0x41: {  	_ =	shalt  }
0x42: {  	_ =	shalt  }
0x43: {  	_ =	shalt  }
0x44: {  	_ =	shalt  }
0x45: {  	_ =	shalt  }
0x46: {  	_ =	shalt  }
0x47: {  	_ =	shalt  }
0x48: {  	_ =	shalt  }
0x49: {  	_ =	shalt  }
0x4a: {  	_ =	shalt  }
0x4b: {  	_ =	shalt  }
0x4c: {  	_ =	shalt  }
0x4d: {  	_ =	shalt  }
0x4e: {  	_ =	shalt  }
0x4f: {  	_ =	shalt  }
0x50: {  	_ =	shalt  }
0x51: {  	_ =	shalt  }
0x52: {  	_ =	shalt  }
0x53: {  	_ =	shalt  }
0x54: {  	_ =	shalt  }
0x55: {  	_ =	shalt  }
0x56: {  	_ =	shalt  }
0x57: {  	_ =	shalt  }
0x58: {  	_ =	shalt  }
0x59: {  	_ =	shalt  }
0x5a: {  	_ =	shalt  }
0x5b: {  	_ =	shalt  }
0x5c: {  	_ =	shalt  }
0x5d: {  	_ =	shalt  }
0x5e: {  	_ =	shalt  }
0x5f: {  	_ =	shalt  }
0x60: {  	_ =	shalt  }
0x61: {  	_ =	shalt  }
0x62: {  	_ =	shalt  }
0x63: {  	_ =	shalt  }
0x64: {  	_ =	shalt  }
0x65: {  	_ =	shalt  }
0x66: {  	_ =	shalt  }
0x67: {  	_ =	shalt  }
0x68: {  	_ =	shalt  }
0x69: {  	_ =	shalt  }
0x6a: {  	_ =	shalt  }
0x6b: {  	_ =	shalt  }
0x6c: {  	_ =	shalt  }
0x6d: {  	_ =	shalt  }
0x6e: {  	_ =	shalt  }
0x6f: {  	_ =	shalt  }
0x70: {  	_ =	shalt  }
0x71: {  	_ =	shalt  }
0x72: {  	_ =	shalt  }
0x73: {  	_ =	shalt  }
0x74: {  	_ =	shalt  }
0x75: {  	_ =	shalt  }
0x76: {  	_ =	shalt  }
0x77: {  	_ =	shalt  }
0x78: {  	_ =	shalt  }
0x79: {  	_ =	shalt  }
0x7a: {  	_ =	shalt  }
0x7b: {  	_ =	shalt  }
0x7c: {  	_ =	shalt  }
0x7d: {  	_ =	shalt  }
0x7e: {  	_ =	shalt  }
0x7f: {  	_ =	shalt  }
0x80: {  	_ =	shalt  }
0x81: {  	_ =	shalt  }
0x82: {  	_ =	shalt  }
0x83: {  	_ =	shalt  }
0x84: {  	_ =	shalt  }
0x85: {  	_ =	shalt  }
0x86: {  	_ =	shalt  }
0x87: {  	_ =	shalt  }
.Lfunc_end0:
.L_simem_size_0:
called_computation_lowered:
.L_overlay_start_0:
0x88: {  	s2 =	sld [smem:$0x3FD9]  }
0x89: {  	s3 =	sld [smem:$0x3FFE];
	_ =	sdelay $0x1  }
0x8a: {  	s1 =	srdreg.scid  }
0x8b: {  	s0 =	sand.u32 $0x1, s1  }
0x8c: {  	s17 =	sshll.u32 s0, $0xA;
	s2 =	sadd.s32 s3, s2  }
0x8d: {  	s2 =	sadd.s32 s2, s17  }
0x8e: {  	[smem:$0x3FC3] =	sst s2  }
0x8f: {  	_ = 	snop  }
0x90: {  	s2 =	sld [smem:$0x3FC9];
	(tm) =	ssettm $0x1  }
0x91: {  	s18 =	sld [smem:$0x3FFB];
	_ =	sdelay $0x3  }
0x92: {  	_ =	strace s18  }
0x93: {  	s3 =	sld [smem:$0x3FFC];
	_ =	sdelay $0x3  }
0x94: {  	_ =	strace s3  }
0x95: {  	s3 =	sld [smem:$0x3FFD];
	_ =	sdelay $0x3  }
0x96: {  	_ =	strace s3  }
0x97: {  	_ =	strace $0x8FFFFFFF  }
0x98: {  	s19 =	sld [smem:$0x3FDB];
	_ =	sdelay $0x1  }
0x99: {  	s4 =	simm.s32 $_scs_section_size  }
0x9a: {  	s5 =	simm.s32 $_size__tile_overlayer_lowered;
	s6 =	simm.s32 $_tile_overlayer_lowered  }
0x9b: {  	s22 =	simm.s32 $0x1BFF;
	s21 =	sshll.u32 s6, $0x1;
	s3 =	sadd.s32 s4, s19  }
0x9c: {  	s7 =	simm.s32 $0x0;
	s20 =	sshll.u32 s5, $0x1;
	s5 =	sadd.s32 s21, s3  }
0x9d: {  	[timem:s7], [sflag:s22] =	dma.local [hbm:s5], s20  }
0x9e: {  	_ =	swait.ge [sflag:s22], s20  }
0x9f: {  	s4 =	ssub.s32 $0x0, s20;
	[sflag:s22] =	ssyncset.done $0x0  }
0xa0: {  	[sflag:s22] =	ssyncadd.s32 s4;
	_ =	sdelay $0x1  }
0xa1: {  	s23 =	simm.s32 $0x1B8B  }
0xa2: {  	_ =	swait.ge [sflag:s23], $0x1  }
0xa3: {  	[sflag:s23] =	ssyncset.done $0x0  }
0xa4: {  	s25 =	simm.s32 $0x1B8E;
	s24 =	sld [smem:$0x3FFE];
	[sflag:s23] =	ssyncadd.s32 $0xFFFFFFFF  }
0xa5: {  	s26 =	simm.s32 $execute0_lowered;
	[smem:$0x3FD2] =	sst s25  }
0xa6: {  	s5 =	sshll.u32 s26, $0x1;
	_ =	strace $0x80000046;
	[dreg:$0x1] =	wrdreg $0xFFFFFFFF  }
0xa7: {  	s28 =	simm.s32 $_size_execute0_lowered;
	s3 =	sadd.s32 s3, s5;
	[dreg:$0x0] =	wrdreg $0x0  }
0xa8: {  	s5 =	sshll.u32 s28, $0x1;
	[dreg:$0x2] =	wrdreg s3  }
0xa9: {  	[dreg:$0x3] =	wrdreg s5  }
0xaa: {  	[dreg:$0x4] =	wrdreg $0xC0  }
0xab: {  	_ =	task [dreg:s7], $0x5FFFF  }
0xac: {  	[dreg:$0x1] =	wrdreg $0xFFFFFFFF  }
0xad: {  	[dreg:$0x0] =	wrdreg $0x60  }
0xae: {  	[dreg:$0x2] =	wrdreg s2  }
0xaf: {  	[dreg:$0x3] =	wrdreg s24  }
0xb0: {  	[dreg:$0x4] =	wrdreg $0x9  }
0xb1: {  	_ =	task.clear_ibuf [dreg:s7], $0x5FFFF;
	_ =	strace $0x90000046  }
0xb2: {  	s29 =	simm.s32 $0x9;
	_ =	strace $0x80000048  }
0xb3: {  	_ =	swait.ge [sflag:s29], $0x1  }
0xb4: {  	[sflag:s29] =	ssyncadd.s32 $0xFFFFFFFF  }
0xb5: {  	_ =	strace $0x90000048  }
0xb6: {  	_ =	sfence  }
0xb7: {  	s30 =	sld [smem:$0x0];
	_ =	sdelay $0x2  }
0xb8: {  	s31 =	sshll.u32 s1, $0xD;
	s1 =	sshrl.u32 s1, $0x2  }
0xb9: {  	s3 =	sand.u32 $0x4000, s31;
	s1 =	sadd.s32 s1, s30  }
0xba: {  	s0 =	sor.u32 s3, s0;
	s1 =	sshll.u32 s1, $0x11  }
0xbb: {  	s0 =	sor.u32 s1, s0  }
0xbc: {  	s0 =	sadd.s32 $0x8F2B, s0  }
0xbd: {  	[sflag:s0] =	ssyncadd.remote.s32 $0x1  }
0xbe: {  	_ =	sfence.sel $0xFFFF  }
0xbf: {  	[dreg:$0x0] =	wrdreg $0xFFFFFFFF;
	(pc) =	sbr.abs _section_cstart, $3  }
0xc0: {  	[dreg:$0x1] =	wrdreg $0xFFFFFFFF  }
0xc1: {  	_ =	task.clear_ibuf [dreg:s7], $0x2FFFF;
	_ =	strace $0x9FFFFFFF  }
0xc2: {  	(tm) =	ssettm $0x7FFFFFFF  }
0xc3: {  	_ =	shalt  }
tec
execute0_lowered:
.L_overlay_start_1:
0x0: {  	(tag) =	ssettag $0x1  }
0x1: {  	s0 =	srdreg.scid  }
0x2: {  	s2 =	stileid.u32;
	s1 =	rddreg [dreg:$0x0]  }
0x3: {  	s6 =	rddreg [dreg:$0x1];
	s25 =	simm.s32 $0x10000;
	s26 =	simm.s32 $0x10080  }
0x4: {  	s8 =	simm.s32 $0x3;
	s20 =	simm.s32 $0x1800;
	s21 =	simm.s32 $0x2000  }
0x5: {  	s22 =	simm.s32 $0x2800;
	s28 =	simm.s32 $0x5000;
	s29 =	simm.s32 $0x5800  }
0x6: {  	s30 =	simm.s32 $0x6000;
	s31 =	simm.s32 $0x6800;
	s9 =	simm.s32 $0x8000  }
0x7: {  	s10 =	simm.s32 $0x8800;
	s11 =	simm.s32 $0x9000;
	s12 =	simm.s32 $0x9800  }
0x8: {  	s13 =	simm.s32 $0xA000;
	s14 =	simm.s32 $0xA800;
	s15 =	simm.s32 $0xB000  }
0x9: {  	s16 =	simm.s32 $0xB800;
	s17 =	simm.s32 $0xC000;
	s0 =	sand.u32 $0x1, s0  }
0xa: {  	s2 =	sshll.u32 s2, $0x7;
	s23 =	sadd.s32 $0x1E00, s6;
	s3 =	sshll.u32 s0, $0x6  }
0xb: {  	s0 =	ssub.s32 $0x2, s0;
	s4 =	sor.u32 s3, s2;
	s2 =	simm.s32 $0x0  }
0xc: {  	s24 =	sshrl.u32 s0, $0x1;
	s5 =	sshll.u32 s4, $0x1;
	[smem:$0x7FF] =	sst s2  }
0xd: {  	s4 =	sshll.u32 s4, $0x7;
	s0 =	ssub.s32 s0, s24;
	s24 =	simm.s32 $0x3800  }
0xe: {  	s7 =	sand.u32 $0xF00, s5;
	_ =	strace $0x80000047;
	[dreg:$0x6] =	wrdreg s25  }
0xf: {  	s1 =	sadd.s32 s1, s4;
	s4 =	sadd.s32 $0x2500, s6;
	[dreg:$0x7] =	wrdreg s26  }
0x10: {  	s25 =	simm.s32 $0x4000;
	s26 =	simm.s32 $0x4800;
	s7 =	sor.u32 s3, s7  }
0x11: {  	s3 =	sor.u32 s3, s5;
	[dreg:$0x5] =	wrdreg s1;
	s7 =	sshrl.u32 s7, $0x3  }
0x12: {  	s5 =	sadd.s32 $0x2600, s6;
	s3 =	sshrl.u32 s3, $0x3;
	s7 =	sadd.s32 s23, s7  }
0x13: {  	v2 =	vlaneseq.u32;
	s1 =	simm.s32 $0x7000;
	s3 =	sor.u32 $0x10, s3;
	[dreg:$0x3] =	wrdreg s7  }
0x14: {  	vm0 =	vmmov $0xffff;
	v1 =	vshrl.u32 v2, $0x3;
	s3 =	sadd.s32 s23, s3;
	s7 =	smax.u32 s0, $0x1;
	s23 =	simm.s32 $0x3000  }
0x15: {  	v0 =	vand.u32 $0x7, v2;
	v2 =	vor.u32 $0x8, v2;
	v1 =	vmul.u32 $0x8, v1;
	[dreg:$0x4] =	wrdreg s3;
	s3 =	sadd.s32 $0x2400, s6;
	s6 =	sadd.s32 $0x2700, s6  }
.LBB2_1:
0x16: {  	s18 =	rddreg [dreg:$0x3]  }
0x17: {  	s19 =	rddreg [dreg:$0x6]  }
0x18: {  	[tilespmem:s19], [sflag:$0x3] =	stream.linear.gather [hbm4b:s18+s2], $0x40, $0x38;
	[tilespmem:$0x10100] =	vst v63  }
0x19: {  	_ =	swait.ge [sflag:s8], $0x40  }
0x1a: {  	s19 =	rddreg [dreg:$0x4];
	[sflag:s8] =	ssyncset.done $0x0  }
0x1b: {  	s0 =	rddreg [dreg:$0x7];
	[sflag:s8] =	ssyncadd.s32 $0xFFFFFFC0  }
0x1c: {  	[tilespmem:s0], [sflag:$0x3] =	stream.linear.gather [hbm4b:s19+s2], $0x40, $0x38;
	[tilespmem:$0x10100] =	vst v63  }
0x1d: {  	_ =	swait.ge [sflag:s8], $0x40  }
0x1e: {  	[sflag:s8] =	ssyncset.done $0x0  }
0x1f: {  	s0 =	rddreg [dreg:$0x5];
	[sflag:s8] =	ssyncadd.s32 $0xFFFFFFC0  }
0x20: {  	[tilespmem:s2], [sflag:$0x3] =	stream.linear.gather [hbm4b:s0+s2], $0x10000, $0x38;
	[tilespmem:$0x10100] =	vst v63  }
0x21: {  	_ =	swait.ge [sflag:s8], $0x10000  }
0x22: {  	[sflag:s8] =	ssyncset.done $0x0  }
0x23: {  	[sflag:s8] =	ssyncadd.s32 $0xFFFF0000  }
0x24: {  	v3 =	vld [tilespmem:$0x10000];
	_ =	sdelay $0x4  }
0x25: {  	v4 =	vshll.u32 v3, $0x3  }
0x26: {  	v3 =	vand.u32 $0x7, v3;
	v4 =	vand.u32 $0xFFFFFFC0, v4  }
0x27: {  	v3 =	vor.u32 v3, v4  }
0x28: {  	v4 =	vperm.xlane v3, v0;
	_ =	sdelay $0x1  }
0x29: {  	v4 =	vadd.s32 v1, v4;
	_ =	sdelay $0x4  }
0x2a: {  	[hbm4b:s3+s2] =	stream.indirect_vreg.scatter [tilespmem:s2], [sflag:$0x1], $0x80, v4, vm0, $0xb8;
	[tilespmem:$0x10100] =	vst v63  }
0x2b: {  	s18 =	simm.s32 $0x800;
	v3 =	vperm.xlane v3, v2  }
0x2c: {  	[hbm4b:s4+s2] =	stream.indirect_vreg.scatter [tilespmem:s18], [sflag:$0x1], $0x80, v4, vm0, $0xb8;
	[tilespmem:$0x10100] =	vst v63  }
0x2d: {  	s19 =	simm.s32 $0x1000;
	v3 =	vadd.s32 v1, v3  }
0x2e: {  	[hbm4b:s5+s2] =	stream.indirect_vreg.scatter [tilespmem:s19], [sflag:$0x1], $0x80, v4, vm0, $0xb8;
	[tilespmem:$0x10100] =	vst v63  }
0x2f: {  	_ = 	snop  }
0x30: {  	[hbm4b:s6+s2] =	stream.indirect_vreg.scatter [tilespmem:s20], [sflag:$0x1], $0x80, v4, vm0, $0xb8;
	[tilespmem:$0x10100] =	vst v63  }
0x31: {  	_ = 	snop  }
0x32: {  	[hbm4b:s3+s2] =	stream.indirect_vreg.scatter [tilespmem:s21], [sflag:$0x1], $0x80, v3, vm0, $0xb8;
	[tilespmem:$0x10100] =	vst v63  }
0x33: {  	_ = 	snop  }
0x34: {  	[hbm4b:s4+s2] =	stream.indirect_vreg.scatter [tilespmem:s22], [sflag:$0x1], $0x80, v3, vm0, $0xb8;
	[tilespmem:$0x10100] =	vst v63  }
0x35: {  	_ = 	snop  }
0x36: {  	[hbm4b:s5+s2] =	stream.indirect_vreg.scatter [tilespmem:s23], [sflag:$0x1], $0x80, v3, vm0, $0xb8;
	[tilespmem:$0x10100] =	vst v63  }
0x37: {  	_ = 	snop  }
0x38: {  	[hbm4b:s6+s2] =	stream.indirect_vreg.scatter [tilespmem:s24], [sflag:$0x1], $0x80, v3, vm0, $0xb8;
	[tilespmem:$0x10100] =	vst v63  }
0x39: {  	v3 =	vld [tilespmem:$0x10010];
	_ =	sdelay $0x4  }
0x3a: {  	v57 =	vshll.u32 v3, $0x3  }
0x3b: {  	v3 =	vand.u32 $0x7, v3;
	v4 =	vand.u32 $0xFFFFFFC0, v57  }
0x3c: {  	v3 =	vor.u32 v3, v4  }
0x3d: {  	v4 =	vperm.xlane v3, v0;
	_ =	sdelay $0x1  }
0x3e: {  	v4 =	vadd.s32 v1, v4;
	_ =	sdelay $0x4  }
0x3f: {  	[hbm4b:s3+s2] =	stream.indirect_vreg.scatter [tilespmem:s25], [sflag:$0x1], $0x80, v4, vm0, $0xb8;
	[tilespmem:$0x10100] =	vst v63  }
0x40: {  	v3 =	vperm.xlane v3, v2  }
0x41: {  	[hbm4b:s4+s2] =	stream.indirect_vreg.scatter [tilespmem:s26], [sflag:$0x1], $0x80, v4, vm0, $0xb8;
	[tilespmem:$0x10100] =	vst v63  }
0x42: {  	v3 =	vadd.s32 v1, v3  }
0x43: {  	[hbm4b:s5+s2] =	stream.indirect_vreg.scatter [tilespmem:s28], [sflag:$0x1], $0x80, v4, vm0, $0xb8;
	[tilespmem:$0x10100] =	vst v63  }
0x44: {  	_ = 	snop  }
0x45: {  	[hbm4b:s6+s2] =	stream.indirect_vreg.scatter [tilespmem:s29], [sflag:$0x1], $0x80, v4, vm0, $0xb8;
	[tilespmem:$0x10100] =	vst v63  }
0x46: {  	_ = 	snop  }
0x47: {  	[hbm4b:s3+s2] =	stream.indirect_vreg.scatter [tilespmem:s30], [sflag:$0x1], $0x80, v3, vm0, $0xb8;
	[tilespmem:$0x10100] =	vst v63  }
0x48: {  	_ = 	snop  }
0x49: {  	[hbm4b:s4+s2] =	stream.indirect_vreg.scatter [tilespmem:s31], [sflag:$0x1], $0x80, v3, vm0, $0xb8;
	[tilespmem:$0x10100] =	vst v63  }
0x4a: {  	_ = 	snop  }
0x4b: {  	[hbm4b:s5+s2] =	stream.indirect_vreg.scatter [tilespmem:s1], [sflag:$0x1], $0x80, v3, vm0, $0xb8;
	[tilespmem:$0x10100] =	vst v63  }
0x4c: {  	s0 =	simm.s32 $0x7800  }
0x4d: {  	[hbm4b:s6+s2] =	stream.indirect_vreg.scatter [tilespmem:s0], [sflag:$0x1], $0x80, v3, vm0, $0xb8;
	[tilespmem:$0x10100] =	vst v63  }
0x4e: {  	v3 =	vld [tilespmem:$0x10020];
	_ =	sdelay $0x4  }
0x4f: {  	v58 =	vshll.u32 v3, $0x3  }
0x50: {  	v3 =	vand.u32 $0x7, v3;
	v4 =	vand.u32 $0xFFFFFFC0, v58  }
0x51: {  	v3 =	vor.u32 v3, v4  }
0x52: {  	v4 =	vperm.xlane v3, v0;
	_ =	sdelay $0x1  }
0x53: {  	v4 =	vadd.s32 v1, v4;
	_ =	sdelay $0x4  }
0x54: {  	[hbm4b:s3+s2] =	stream.indirect_vreg.scatter [tilespmem:s9], [sflag:$0x1], $0x80, v4, vm0, $0xb8;
	[tilespmem:$0x10100] =	vst v63  }
0x55: {  	v3 =	vperm.xlane v3, v2  }
0x56: {  	[hbm4b:s4+s2] =	stream.indirect_vreg.scatter [tilespmem:s10], [sflag:$0x1], $0x80, v4, vm0, $0xb8;
	[tilespmem:$0x10100] =	vst v63  }
0x57: {  	v3 =	vadd.s32 v1, v3  }
0x58: {  	[hbm4b:s5+s2] =	stream.indirect_vreg.scatter [tilespmem:s11], [sflag:$0x1], $0x80, v4, vm0, $0xb8;
	[tilespmem:$0x10100] =	vst v63  }
0x59: {  	_ = 	snop  }
0x5a: {  	[hbm4b:s6+s2] =	stream.indirect_vreg.scatter [tilespmem:s12], [sflag:$0x1], $0x80, v4, vm0, $0xb8;
	[tilespmem:$0x10100] =	vst v63  }
0x5b: {  	_ = 	snop  }
0x5c: {  	[hbm4b:s3+s2] =	stream.indirect_vreg.scatter [tilespmem:s13], [sflag:$0x1], $0x80, v3, vm0, $0xb8;
	[tilespmem:$0x10100] =	vst v63  }
0x5d: {  	_ = 	snop  }
0x5e: {  	[hbm4b:s4+s2] =	stream.indirect_vreg.scatter [tilespmem:s14], [sflag:$0x1], $0x80, v3, vm0, $0xb8;
	[tilespmem:$0x10100] =	vst v63  }
0x5f: {  	_ = 	snop  }
0x60: {  	[hbm4b:s5+s2] =	stream.indirect_vreg.scatter [tilespmem:s15], [sflag:$0x1], $0x80, v3, vm0, $0xb8;
	[tilespmem:$0x10100] =	vst v63  }
0x61: {  	_ = 	snop  }
0x62: {  	[hbm4b:s6+s2] =	stream.indirect_vreg.scatter [tilespmem:s16], [sflag:$0x1], $0x80, v3, vm0, $0xb8;
	[tilespmem:$0x10100] =	vst v63  }
0x63: {  	v3 =	vld [tilespmem:$0x10030];
	_ =	sdelay $0x4  }
0x64: {  	v59 =	vshll.u32 v3, $0x3  }
0x65: {  	v3 =	vand.u32 $0x7, v3;
	v4 =	vand.u32 $0xFFFFFFC0, v59  }
0x66: {  	v3 =	vor.u32 v3, v4  }
0x67: {  	v4 =	vperm.xlane v3, v0;
	_ =	sdelay $0x1  }
0x68: {  	v4 =	vadd.s32 v1, v4;
	_ =	sdelay $0x4  }
0x69: {  	[hbm4b:s3+s2] =	stream.indirect_vreg.scatter [tilespmem:s17], [sflag:$0x1], $0x80, v4, vm0, $0xb8;
	[tilespmem:$0x10100] =	vst v63  }
0x6a: {  	s0 =	simm.s32 $0xC800;
	v3 =	vperm.xlane v3, v2  }
0x6b: {  	[hbm4b:s4+s2] =	stream.indirect_vreg.scatter [tilespmem:s0], [sflag:$0x1], $0x80, v4, vm0, $0xb8;
	[tilespmem:$0x10100] =	vst v63  }
0x6c: {  	v3 =	vadd.s32 v1, v3;
	s0 =	simm.s32 $0xD000  }
0x6d: {  	[hbm4b:s5+s2] =	stream.indirect_vreg.scatter [tilespmem:s0], [sflag:$0x1], $0x80, v4, vm0, $0xb8;
	[tilespmem:$0x10100] =	vst v63  }
0x6e: {  	s0 =	simm.s32 $0xD800  }
0x6f: {  	[hbm4b:s6+s2] =	stream.indirect_vreg.scatter [tilespmem:s0], [sflag:$0x1], $0x80, v4, vm0, $0xb8;
	[tilespmem:$0x10100] =	vst v63  }
0x70: {  	s0 =	simm.s32 $0xE000  }
0x71: {  	[hbm4b:s3+s2] =	stream.indirect_vreg.scatter [tilespmem:s0], [sflag:$0x1], $0x80, v3, vm0, $0xb8;
	[tilespmem:$0x10100] =	vst v63  }
0x72: {  	s0 =	simm.s32 $0xE800  }
0x73: {  	[hbm4b:s4+s2] =	stream.indirect_vreg.scatter [tilespmem:s0], [sflag:$0x1], $0x80, v3, vm0, $0xb8;
	[tilespmem:$0x10100] =	vst v63  }
0x74: {  	s0 =	simm.s32 $0xF000  }
0x75: {  	[hbm4b:s5+s2] =	stream.indirect_vreg.scatter [tilespmem:s0], [sflag:$0x1], $0x80, v3, vm0, $0xb8;
	[tilespmem:$0x10100] =	vst v63  }
0x76: {  	s0 =	simm.s32 $0xF800  }
0x77: {  	[hbm4b:s6+s2] =	stream.indirect_vreg.scatter [tilespmem:s0], [sflag:$0x1], $0x80, v3, vm0, $0xb8;
	[tilespmem:$0x10100] =	vst v63  }
0x78: {  	v3 =	vld [tilespmem:$0x10080];
	_ =	sdelay $0x4  }
0x79: {  	v60 =	vshll.u32 v3, $0x3  }
0x7a: {  	v3 =	vand.u32 $0x7, v3;
	v4 =	vand.u32 $0xFFFFFFC0, v60  }
0x7b: {  	v3 =	vor.u32 v3, v4  }
0x7c: {  	v4 =	vperm.xlane v3, v0;
	_ =	sdelay $0x1  }
0x7d: {  	v4 =	vadd.s32 v1, v4;
	_ =	sdelay $0x4  }
0x7e: {  	[hbm4b:s3+s2] =	stream.indirect_vreg.scatter [tilespmem:s2], [sflag:$0x2], $0x80, v4, vm0, $0xb8;
	[tilespmem:$0x10100] =	vst v63  }
0x7f: {  	v3 =	vperm.xlane v3, v2  }
0x80: {  	[hbm4b:s4+s2] =	stream.indirect_vreg.scatter [tilespmem:s18], [sflag:$0x2], $0x80, v4, vm0, $0xb8;
	[tilespmem:$0x10100] =	vst v63  }
0x81: {  	v3 =	vadd.s32 v1, v3  }
0x82: {  	[hbm4b:s5+s2] =	stream.indirect_vreg.scatter [tilespmem:s19], [sflag:$0x2], $0x80, v4, vm0, $0xb8;
	[tilespmem:$0x10100] =	vst v63  }
0x83: {  	_ = 	snop  }
0x84: {  	[hbm4b:s6+s2] =	stream.indirect_vreg.scatter [tilespmem:s20], [sflag:$0x2], $0x80, v4, vm0, $0xb8;
	[tilespmem:$0x10100] =	vst v63  }
0x85: {  	_ = 	snop  }
0x86: {  	[hbm4b:s3+s2] =	stream.indirect_vreg.scatter [tilespmem:s21], [sflag:$0x2], $0x80, v3, vm0, $0xb8;
	[tilespmem:$0x10100] =	vst v63  }
0x87: {  	_ = 	snop  }
0x88: {  	[hbm4b:s4+s2] =	stream.indirect_vreg.scatter [tilespmem:s22], [sflag:$0x2], $0x80, v3, vm0, $0xb8;
	[tilespmem:$0x10100] =	vst v63  }
0x89: {  	_ = 	snop  }
0x8a: {  	[hbm4b:s5+s2] =	stream.indirect_vreg.scatter [tilespmem:s23], [sflag:$0x2], $0x80, v3, vm0, $0xb8;
	[tilespmem:$0x10100] =	vst v63  }
0x8b: {  	_ = 	snop  }
0x8c: {  	[hbm4b:s6+s2] =	stream.indirect_vreg.scatter [tilespmem:s24], [sflag:$0x2], $0x80, v3, vm0, $0xb8;
	[tilespmem:$0x10100] =	vst v63  }
0x8d: {  	v3 =	vld [tilespmem:$0x10090];
	_ =	sdelay $0x4  }
0x8e: {  	v61 =	vshll.u32 v3, $0x3  }
0x8f: {  	v3 =	vand.u32 $0x7, v3;
	v4 =	vand.u32 $0xFFFFFFC0, v61  }
0x90: {  	v3 =	vor.u32 v3, v4  }
0x91: {  	v4 =	vperm.xlane v3, v0;
	_ =	sdelay $0x1  }
0x92: {  	v4 =	vadd.s32 v1, v4;
	_ =	sdelay $0x4  }
0x93: {  	[hbm4b:s3+s2] =	stream.indirect_vreg.scatter [tilespmem:s25], [sflag:$0x2], $0x80, v4, vm0, $0xb8;
	[tilespmem:$0x10100] =	vst v63  }
0x94: {  	v3 =	vperm.xlane v3, v2  }
0x95: {  	[hbm4b:s4+s2] =	stream.indirect_vreg.scatter [tilespmem:s26], [sflag:$0x2], $0x80, v4, vm0, $0xb8;
	[tilespmem:$0x10100] =	vst v63  }
0x96: {  	v3 =	vadd.s32 v1, v3  }
0x97: {  	[hbm4b:s5+s2] =	stream.indirect_vreg.scatter [tilespmem:s28], [sflag:$0x2], $0x80, v4, vm0, $0xb8;
	[tilespmem:$0x10100] =	vst v63  }
0x98: {  	_ = 	snop  }
0x99: {  	[hbm4b:s6+s2] =	stream.indirect_vreg.scatter [tilespmem:s29], [sflag:$0x2], $0x80, v4, vm0, $0xb8;
	[tilespmem:$0x10100] =	vst v63  }
0x9a: {  	_ = 	snop  }
0x9b: {  	[hbm4b:s3+s2] =	stream.indirect_vreg.scatter [tilespmem:s30], [sflag:$0x2], $0x80, v3, vm0, $0xb8;
	[tilespmem:$0x10100] =	vst v63  }
0x9c: {  	_ = 	snop  }
0x9d: {  	[hbm4b:s4+s2] =	stream.indirect_vreg.scatter [tilespmem:s31], [sflag:$0x2], $0x80, v3, vm0, $0xb8;
	[tilespmem:$0x10100] =	vst v63  }
0x9e: {  	_ = 	snop  }
0x9f: {  	[hbm4b:s5+s2] =	stream.indirect_vreg.scatter [tilespmem:s1], [sflag:$0x2], $0x80, v3, vm0, $0xb8;
	[tilespmem:$0x10100] =	vst v63  }
0xa0: {  	s18 =	simm.s32 $0x7800  }
0xa1: {  	[hbm4b:s6+s2] =	stream.indirect_vreg.scatter [tilespmem:s18], [sflag:$0x2], $0x80, v3, vm0, $0xb8;
	[tilespmem:$0x10100] =	vst v63  }
0xa2: {  	v3 =	vld [tilespmem:$0x100A0];
	_ =	sdelay $0x4  }
0xa3: {  	v62 =	vshll.u32 v3, $0x3  }
0xa4: {  	v3 =	vand.u32 $0x7, v3;
	v4 =	vand.u32 $0xFFFFFFC0, v62  }
0xa5: {  	v3 =	vor.u32 v3, v4  }
0xa6: {  	v4 =	vperm.xlane v3, v0;
	_ =	sdelay $0x1  }
0xa7: {  	v4 =	vadd.s32 v1, v4;
	_ =	sdelay $0x4  }
0xa8: {  	[hbm4b:s3+s2] =	stream.indirect_vreg.scatter [tilespmem:s9], [sflag:$0x2], $0x80, v4, vm0, $0xb8;
	[tilespmem:$0x10100] =	vst v63  }
0xa9: {  	v3 =	vperm.xlane v3, v2  }
0xaa: {  	[hbm4b:s4+s2] =	stream.indirect_vreg.scatter [tilespmem:s10], [sflag:$0x2], $0x80, v4, vm0, $0xb8;
	[tilespmem:$0x10100] =	vst v63  }
0xab: {  	v3 =	vadd.s32 v1, v3  }
0xac: {  	[hbm4b:s5+s2] =	stream.indirect_vreg.scatter [tilespmem:s11], [sflag:$0x2], $0x80, v4, vm0, $0xb8;
	[tilespmem:$0x10100] =	vst v63  }
0xad: {  	_ = 	snop  }
0xae: {  	[hbm4b:s6+s2] =	stream.indirect_vreg.scatter [tilespmem:s12], [sflag:$0x2], $0x80, v4, vm0, $0xb8;
	[tilespmem:$0x10100] =	vst v63  }
0xaf: {  	_ = 	snop  }
0xb0: {  	[hbm4b:s3+s2] =	stream.indirect_vreg.scatter [tilespmem:s13], [sflag:$0x2], $0x80, v3, vm0, $0xb8;
	[tilespmem:$0x10100] =	vst v63  }
0xb1: {  	_ = 	snop  }
0xb2: {  	[hbm4b:s4+s2] =	stream.indirect_vreg.scatter [tilespmem:s14], [sflag:$0x2], $0x80, v3, vm0, $0xb8;
	[tilespmem:$0x10100] =	vst v63  }
0xb3: {  	_ = 	snop  }
0xb4: {  	[hbm4b:s5+s2] =	stream.indirect_vreg.scatter [tilespmem:s15], [sflag:$0x2], $0x80, v3, vm0, $0xb8;
	[tilespmem:$0x10100] =	vst v63  }
0xb5: {  	_ = 	snop  }
0xb6: {  	[hbm4b:s6+s2] =	stream.indirect_vreg.scatter [tilespmem:s16], [sflag:$0x2], $0x80, v3, vm0, $0xb8;
	[tilespmem:$0x10100] =	vst v63  }
0xb7: {  	v3 =	vld [tilespmem:$0x100B0];
	_ =	sdelay $0x4  }
0xb8: {  	v63 =	vshll.u32 v3, $0x3  }
0xb9: {  	v3 =	vand.u32 $0x7, v3;
	v4 =	vand.u32 $0xFFFFFFC0, v63  }
0xba: {  	v3 =	vor.u32 v3, v4  }
0xbb: {  	v4 =	vperm.xlane v3, v0;
	_ =	sdelay $0x1  }
0xbc: {  	v4 =	vadd.s32 v1, v4;
	_ =	sdelay $0x4  }
0xbd: {  	[hbm4b:s3+s2] =	stream.indirect_vreg.scatter [tilespmem:s17], [sflag:$0x2], $0x80, v4, vm0, $0xb8;
	[tilespmem:$0x10100] =	vst v63  }
0xbe: {  	s19 =	simm.s32 $0xC800;
	v3 =	vperm.xlane v3, v2  }
0xbf: {  	[hbm4b:s4+s2] =	stream.indirect_vreg.scatter [tilespmem:s19], [sflag:$0x2], $0x80, v4, vm0, $0xb8;
	[tilespmem:$0x10100] =	vst v63  }
0xc0: {  	s18 =	simm.s32 $0xD000;
	v3 =	vadd.s32 v1, v3  }
0xc1: {  	[hbm4b:s5+s2] =	stream.indirect_vreg.scatter [tilespmem:s18], [sflag:$0x2], $0x80, v4, vm0, $0xb8;
	[tilespmem:$0x10100] =	vst v63  }
0xc2: {  	s19 =	simm.s32 $0xD800  }
0xc3: {  	[hbm4b:s6+s2] =	stream.indirect_vreg.scatter [tilespmem:s19], [sflag:$0x2], $0x80, v4, vm0, $0xb8;
	[tilespmem:$0x10100] =	vst v63  }
0xc4: {  	s18 =	simm.s32 $0xE000  }
0xc5: {  	[hbm4b:s3+s2] =	stream.indirect_vreg.scatter [tilespmem:s18], [sflag:$0x2], $0x80, v3, vm0, $0xb8;
	[tilespmem:$0x10100] =	vst v63  }
0xc6: {  	s19 =	simm.s32 $0xE800  }
0xc7: {  	[hbm4b:s4+s2] =	stream.indirect_vreg.scatter [tilespmem:s19], [sflag:$0x2], $0x80, v3, vm0, $0xb8;
	[tilespmem:$0x10100] =	vst v63  }
0xc8: {  	s18 =	simm.s32 $0xF000  }
0xc9: {  	[hbm4b:s5+s2] =	stream.indirect_vreg.scatter [tilespmem:s18], [sflag:$0x2], $0x80, v3, vm0, $0xb8;
	[tilespmem:$0x10100] =	vst v63  }
0xca: {  	s19 =	simm.s32 $0xF800;
	s18 =	simm.s32 $0x1  }
0xcb: {  	[hbm4b:s6+s2] =	stream.indirect_vreg.scatter [tilespmem:s19], [sflag:$0x2], $0x80, v3, vm0, $0xb8;
	[tilespmem:$0x10100] =	vst v63  }
0xcc: {  	p0 =	sne.s32 s7, $0x1;
	_ =	swait.ge [sflag:s18], $0x10000  }
.Ltmp0:
0xcd: {  	[sflag:s18] =	ssyncset.done $0x0;
	(pc) =	sbr.rel @p0 .LBB2_1-.Ltmp0, $4  }
0xce: {  	s19 =	simm.s32 $0x2;
	[sflag:s18] =	ssyncadd.s32 $0xFFFF0000  }
0xcf: {  	_ =	swait.ge [sflag:s19], $0x10000  }
0xd0: {  	[sflag:s19] =	ssyncset.done $0x0  }
0xd1: {  	s7 =	sadd.s32 $0xFFFFFFFF, s7;
	[sflag:s19] =	ssyncadd.s32 $0xFFFF0000  }
0xd2: {  	_ =	sfence.sel $0x180000  }
0xd3: {  	[bflag:$0x0] =	sbarrier.arrive $0xFFFF  }
0xd4: {  	_ =	strace $0x90000047  }
0xd5: {  	s0 =	stileid.u32;
	[bflag:$0x2] =	sbarrier.arrive $0xFFFF  }
0xd6: {  	p0 =	sne.s32 s0, $0x0;
	s0 =	rddreg [dreg:$0x2]  }
0xd7: {  	s0 =	sadd.s32 @!p0 $0x100000, s0  }
0xd8: {  	[sflag:s0] =	ssyncadd.tile.s32 @!p0 $0x1;
	_ =	shalt  }
.Lfunc_end2:
_tile_overlayer_lowered:
.L_overlay_start_2:
0xd9: {  	(tag) =	ssettag $0x2  }
0xda: {  	s0 =	rddreg [dreg:$0x0];
	s2 =	stileid.u32  }
0xdb: {  	s1 =	rddreg [dreg:$0x1];
	p0 =	sne.s32 s2, $0x0  }
0xdc: {  	s3 =	rddreg [dreg:$0x2];
	[bflag:$0x3] =	sbarrier.arrive $0xFFFF;
	s2 =	simm.s32 @!p0 $0x1C03  }
0xdd: {  	[timem:s3], [sflag:s2] =	dma.local @!p0 [hbm:s0], s1  }
0xde: {  	s0 =	simm.s32 @!p0 $0x3  }
0xdf: {  	_ =	swait.ge @!p0 [sflag:s0], s1  }
0xe0: {  	s1 =	ssub.s32 @!p0 $0x0, s1;
	[sflag:s0] =	ssyncset.done @!p0 $0x0  }
0xe1: {  	[sflag:s0] =	ssyncadd.s32 @!p0 s1  }
0xe2: {  	[bflag:$0x3] =	sbarrier.arrive $0xFFFF  }
0xe3: {  	_ =	shalt  }

</sc_bundles>
